<compile_context>
chip_gen: v7x
topology: tpu7x:2x2x1
jax: 0.10.2.dev20260603
libtpu: 0.0.44.dev20260713+nightly
codegen_flags: <defaults>
</compile_context>

<pallas_src>
import functools

import jax
import jax.numpy as jnp
from jax import lax
from jax.experimental import pallas as pl
from jax.experimental.pallas import tpu as pltpu
from jax.experimental.pallas import tpu_sc as plsc

N = 50000
B = 1024
F = 256
TILE = 80
NT = N // TILE
NW = 32
ROUNDS = (NT + NW - 1) // NW
GROUPS = TILE // 16
KV = F // 16
ROW_BLK = 1000


def _matvec_body(node_ref, w_ref, v_ref, vmax_ref):
    x = jnp.dot(node_ref[...], w_ref[...], preferred_element_type=jnp.float32)
    v_ref[...] = x
    m = jnp.max(x, keepdims=True)
    pid = pl.program_id(0)

    @pl.when(pid == 0)
    def _():
        vmax_ref[...] = m

    @pl.when(pid != 0)
    def _():
        vmax_ref[...] = jnp.maximum(vmax_ref[...], m)


def _matvec(node_feats, w1b):
    return pl.pallas_call(
        _matvec_body,
        grid=(N // ROW_BLK,),
        in_specs=[
            pl.BlockSpec((ROW_BLK, F), lambda i: (i, 0)),
            pl.BlockSpec((F, 1), lambda i: (0, 0)),
        ],
        out_specs=[
            pl.BlockSpec((ROW_BLK, 1), lambda i: (i, 0)),
            pl.BlockSpec((1, 1), lambda i: (0, 0)),
        ],
        out_shape=[
            jax.ShapeDtypeStruct((N, 1), jnp.float32),
            jax.ShapeDtypeStruct((1, 1), jnp.float32),
        ],
    )(node_feats, w1b)


def _umat_body(g_ref, w_ref, u_ref, umax_ref):
    x = jnp.dot(jnp.maximum(g_ref[...], 0.0), w_ref[...],
                preferred_element_type=jnp.float32)
    u_ref[...] = x
    umax_ref[...] = jnp.max(x, keepdims=True)


def _umat(g_feats, w1a):
    return pl.pallas_call(
        _umat_body,
        out_shape=[
            jax.ShapeDtypeStruct((B, 1), jnp.float32),
            jax.ShapeDtypeStruct((1, 1), jnp.float32),
        ],
    )(g_feats, w1a)


def _sc_body(node_hbm, v_hbm, seg_hbm, u_hbm, c_hbm, zp_hbm, zd_hbm,
             pooled_out, d_out,
             rows_a, vb_a, segb_a, rows_b, vb_b, segb_b,
             eb, erows, ub, cb, shp, shd, sem_a, sem_b):
    cid = lax.axis_index("c")
    sid = lax.axis_index("s")
    wid = sid * 2 + cid

    pltpu.sync_copy(u_hbm, ub)
    pltpu.sync_copy(c_hbm, cb)
    zero16 = jnp.zeros((16,), jnp.float32)
    for i in range(TILE):
        erows[i, :] = zero16

    @pl.when(sid == 0)
    def _():
        pltpu.sync_copy(zp_hbm, shp)
        pltpu.sync_copy(zd_hbm, shd)

    plsc.subcore_barrier()

    cv = cb[...]
    b1s = cv[0]
    shift = cv[1]
    lanes = lax.iota(jnp.int32, 16)

    def start3(t, rows_x, vb_x, segb_x, sem_x):
        base = t * TILE
        pltpu.async_copy(node_hbm.at[pl.ds(base, TILE)], rows_x, sem_x)
        pltpu.async_copy(v_hbm.at[pl.ds(base, TILE)], vb_x, sem_x)
        pltpu.async_copy(seg_hbm.at[pl.ds(base, TILE)], segb_x, sem_x)

    def wait3(t, rows_x, vb_x, segb_x, sem_x):
        base = t * TILE
        pltpu.make_async_copy(node_hbm.at[pl.ds(base, TILE)], rows_x, sem_x).wait()
        pltpu.make_async_copy(v_hbm.at[pl.ds(base, TILE)], vb_x, sem_x).wait()
        pltpu.make_async_copy(seg_hbm.at[pl.ds(base, TILE)], segb_x, sem_x).wait()

    def process(rows_x, vb_x, segb_x):
        for g in range(GROUPS):
            sv = segb_x[pl.ds(g * 16, 16)]
            vv = vb_x[pl.ds(g * 16, 16)]
            uu = plsc.load_gather(ub, [sv])
            zz = vv + uu + b1s
            zz = jnp.where(zz > 0.0, zz, zz * 0.01)
            ee = jnp.exp(zz - shift)
            eb[pl.ds(g * 16, 16)] = ee
            plsc.store_scatter(erows, [g * 16 + lanes,
                                       jnp.zeros((16,), jnp.int32)], ee)

        def node_body(n, c2):
            es = plsc.load_gather(eb, [jnp.full((16,), n, jnp.int32)])
            for k in range(KV):
                rows_x[n, pl.ds(k * 16, 16)] = rows_x[n, pl.ds(k * 16, 16)] * es
            return c2

        lax.fori_loop(0, TILE, node_body, 0)
        pltpu.sync_copy(rows_x, shp.at[segb_x], add=True)
        pltpu.sync_copy(erows, shd.at[segb_x], add=True)

    t0 = wid

    @pl.when(t0 < NT)
    def _():
        start3(t0, rows_a, vb_a, segb_a, sem_a)

    def pair_body(i, carry):
        rr = i * 2
        t_a = rr * NW + wid
        t_b = (rr + 1) * NW + wid
        t_c = (rr + 2) * NW + wid

        @pl.when(t_b < NT)
        def _():
            start3(t_b, rows_b, vb_b, segb_b, sem_b)

        @pl.when(t_a < NT)
        def _():
            wait3(t_a, rows_a, vb_a, segb_a, sem_a)
            process(rows_a, vb_a, segb_a)

        @pl.when(t_c < NT)
        def _():
            start3(t_c, rows_a, vb_a, segb_a, sem_a)

        @pl.when(t_b < NT)
        def _():
            wait3(t_b, rows_b, vb_b, segb_b, sem_b)
            process(rows_b, vb_b, segb_b)

        return carry

    lax.fori_loop(0, ROUNDS // 2, pair_body, 0)
    plsc.subcore_barrier()

    @pl.when(sid == 0)
    def _():
        pltpu.sync_copy(shp, pooled_out.at[cid])
        pltpu.sync_copy(shd, d_out.at[cid])


def _sc_pool(node_feats, v, seg, u, consts, zp, zd):
    mesh = plsc.VectorSubcoreMesh(core_axis_name="c", subcore_axis_name="s")
    kern = pl.kernel(
        _sc_body,
        mesh=mesh,
        compiler_params=pltpu.CompilerParams(
            needs_layout_passes=False, use_tc_tiling_on_sc=False),
        out_type=[
            jax.ShapeDtypeStruct((2, B, F), jnp.float32),
            jax.ShapeDtypeStruct((2, B, 16), jnp.float32),
        ],
        scratch_types=[
            pltpu.VMEM((TILE, F), jnp.float32),
            pltpu.VMEM((TILE,), jnp.float32),
            pltpu.VMEM((TILE,), jnp.int32),
            pltpu.VMEM((TILE, F), jnp.float32),
            pltpu.VMEM((TILE,), jnp.float32),
            pltpu.VMEM((TILE,), jnp.int32),
            pltpu.VMEM((TILE,), jnp.float32),
            pltpu.VMEM((TILE, 16), jnp.float32),
            pltpu.VMEM((B,), jnp.float32),
            pltpu.VMEM((16,), jnp.float32),
            pltpu.VMEM_SHARED((B, F), jnp.float32),
            pltpu.VMEM_SHARED((B, 16), jnp.float32),
            pltpu.SemaphoreType.DMA,
            pltpu.SemaphoreType.DMA,
        ],
    )
    return kern(node_feats, v, seg, u, consts, zp, zd)


def _final_body(pp_ref, dp_ref, g_ref, W2_ref, b2_ref, Wih_ref, Whh_ref,
                bih_ref, bhh_ref, out_ref):
    pooled = pp_ref[0] + pp_ref[1]
    d = dp_ref[0, :, 0] + dp_ref[1, :, 0]
    nonempty = d > 0.0
    inv = jnp.where(nonempty, 1.0 / jnp.where(nonempty, d, 1.0), 0.0)
    ctx_in = pooled * inv[:, None]
    dn = (((1,), (1,)), ((), ()))
    g_repr = lax.dot_general(ctx_in, W2_ref[...], dn,
                             preferred_element_type=jnp.float32)
    g_repr = g_repr + b2_ref[...][None, :] * nonempty[:, None].astype(jnp.float32)
    context = jnp.where(g_repr > 0.0, g_repr,
                        jnp.exp(jnp.minimum(g_repr, 0.0)) - 1.0)
    g = g_ref[...]
    gi = lax.dot_general(context, Wih_ref[...], dn,
                         preferred_element_type=jnp.float32) + bih_ref[...][None, :]
    gh = lax.dot_general(g, Whh_ref[...], dn,
                         preferred_element_type=jnp.float32) + bhh_ref[...][None, :]
    i_r, i_z, i_n = gi[:, :F], gi[:, F:2 * F], gi[:, 2 * F:]
    h_r, h_z, h_n = gh[:, :F], gh[:, F:2 * F], gh[:, 2 * F:]
    r = jax.nn.sigmoid(i_r + h_r)
    uu = jax.nn.sigmoid(i_z + h_z)
    n = jnp.tanh(i_n + r * h_n)
    out_ref[...] = (1.0 - uu) * n + uu * g


def _final(pooled_parts, d_parts, g_feats, W2, b2, Wih, Whh, bih, bhh):
    return pl.pallas_call(
        _final_body,
        out_shape=jax.ShapeDtypeStruct((B, F), jnp.float32),
    )(pooled_parts, d_parts, g_feats, W2, b2, Wih, Whh, bih, bhh)


def kernel(node_feats, g_feats, segment_ids, W1, b1, W2, b2, Wih, Whh, bih, bhh):
    w1a = W1[0, :F].reshape(F, 1)
    w1b = W1[0, F:].reshape(F, 1)
    v2d, vmax = _matvec(node_feats, w1b)
    u2d, umax = _umat(g_feats, w1a)
    M = jnp.maximum(vmax[0, 0] + umax[0, 0] + b1[0], 0.0)
    consts = jnp.concatenate(
        [b1, M[None], jnp.zeros((14,), jnp.float32)]).astype(jnp.float32)
    zp = jnp.zeros((B, F), jnp.float32)
    zd = jnp.zeros((B, 16), jnp.float32)
    pooled_parts, d_parts = _sc_pool(
        node_feats, v2d.reshape(N), segment_ids, u2d.reshape(B), consts, zp, zd)
    return _final(pooled_parts, d_parts, g_feats, W2, b2, Wih, Whh, bih, bhh)

# --- scband reference (transcript-rebuilt; emitter-appended) ---
"""Pipeline reference for scband-global-pool-11287174053946 (READ-ONLY COPY).

The authoritative reference and input builder live on the scoring server;
editing this copy changes nothing except your own understanding.
"""

import jax, jax.numpy as jnp
import numpy as np

N = 50000
B = 1024
F = 256

def setup_inputs(seed: int = 0) -> dict:
    key = jax.random.key(seed)
    ks = jax.random.split(key, 12)
    node_feats = jax.random.normal(ks[0], (N, F), dtype=jnp.float32)
    g_feats = jax.random.normal(ks[1], (B, F), dtype=jnp.float32)
    segment_ids = jnp.sort(jax.random.randint(ks[2], (N,), 0, B)).astype(jnp.int32)
    s1 = 1.0 / np.sqrt(2 * F)
    s2 = 1.0 / np.sqrt(F)
    W1 = jax.random.uniform(ks[3], (1, 2 * F), jnp.float32, -s1, s1)
    b1 = jax.random.uniform(ks[4], (1,), jnp.float32, -s1, s1)
    W2 = jax.random.uniform(ks[5], (F, F), jnp.float32, -s2, s2)
    b2 = jax.random.uniform(ks[6], (F,), jnp.float32, -s2, s2)
    Wih = jax.random.uniform(ks[7], (3 * F, F), jnp.float32, -s2, s2)
    Whh = jax.random.uniform(ks[8], (3 * F, F), jnp.float32, -s2, s2)
    bih = jax.random.uniform(ks[9], (3 * F,), jnp.float32, -s2, s2)
    bhh = jax.random.uniform(ks[10], (3 * F,), jnp.float32, -s2, s2)
    return {"node_feats": node_feats, "g_feats": g_feats, "segment_ids": segment_ids,
            "W1": W1, "b1": b1, "W2": W2, "b2": b2,
            "Wih": Wih, "Whh": Whh, "bih": bih, "bhh": bhh}

def reference(node_feats, g_feats, segment_ids, W1, b1, W2, b2, Wih, Whh, bih, bhh):
    # broadcast relu(g_feats) to nodes and compute attention logits
    bg = jnp.take(jax.nn.relu(g_feats), segment_ids, axis=0)          # [N, F]
    cat = jnp.concatenate([bg, node_feats], axis=1)                    # [N, 2F]
    z = jax.nn.leaky_relu(cat @ W1.T + b1, negative_slope=0.01)        # [N, 1]
    # softmax over nodes within each graph (dgl.softmax_nodes)
    zf = z[:, 0]
    zmax = jax.ops.segment_max(zf, segment_ids, num_segments=B)        # [B]
    zc = zf - jnp.take(zmax, segment_ids, axis=0)
    ez = jnp.exp(zc)
    denom = jax.ops.segment_sum(ez, segment_ids, num_segments=B)       # [B]
    a = ez / jnp.take(denom, segment_ids, axis=0)                      # [N]
    # project nodes (dropout is identity in eval)
    hv = node_feats @ W2.T + b2                                        # [N, F]
    # weighted sum_nodes
    g_repr = jax.ops.segment_sum(hv * a[:, None], segment_ids, num_segments=B)  # [B, F]
    context = jax.nn.elu(g_repr)
    # GRUCell(context, g_feats); PyTorch gate order: r, z, n
    gi = context @ Wih.T + bih                                         # [B, 3F]
    gh = g_feats @ Whh.T + bhh                                         # [B, 3F]
    i_r, i_z, i_n = gi[:, :F], gi[:, F:2*F], gi[:, 2*F:]
    h_r, h_z, h_n = gh[:, :F], gh[:, F:2*F], gh[:, 2*F:]
    r = jax.nn.sigmoid(i_r + h_r)
    u = jax.nn.sigmoid(i_z + h_z)
    n = jnp.tanh(i_n + r * h_n)
    h_new = (1.0 - u) * n + u * g_feats
    return h_new

if __name__ == "__main__":
    import jax
    _d = setup_inputs()
    print(jax.jit(kernel)(*tuple(_d.values())))

</pallas_src>

<mosaic_0001>
#map = affine_map<(d0, d1) -> (0, 0)>
#map1 = affine_map<(d0, d1) -> (0)>
#map2 = affine_map<(d0, d1) -> (0, 0, 0)>
module attributes {stable_mosaic.version = 14 : i64} {
  func.func @_sc_body(%arg0: i32, %arg1: i32, %arg2: memref<50000x256xf32, #tpu.memory_space<hbm>>, %arg3: memref<50000xf32, #tpu.memory_space<hbm>>, %arg4: memref<50000xi32, #tpu.memory_space<hbm>>, %arg5: memref<1024xf32, #tpu.memory_space<hbm>>, %arg6: memref<16xf32, #tpu.memory_space<hbm>>, %arg7: memref<1024x256xf32, #tpu.memory_space<hbm>>, %arg8: memref<1024x16xf32, #tpu.memory_space<hbm>>, %arg9: memref<2x1024x256xf32, #tpu.memory_space<hbm>>, %arg10: memref<2x1024x16xf32, #tpu.memory_space<hbm>>, %arg11: memref<80x256xf32, #tpu.memory_space<vmem>>, %arg12: memref<80xf32, #tpu.memory_space<vmem>>, %arg13: memref<80xi32, #tpu.memory_space<vmem>>, %arg14: memref<80x256xf32, #tpu.memory_space<vmem>>, %arg15: memref<80xf32, #tpu.memory_space<vmem>>, %arg16: memref<80xi32, #tpu.memory_space<vmem>>, %arg17: memref<80xf32, #tpu.memory_space<vmem>>, %arg18: memref<80x16xf32, #tpu.memory_space<vmem>>, %arg19: memref<1024xf32, #tpu.memory_space<vmem>>, %arg20: memref<16xf32, #tpu.memory_space<vmem>>, %arg21: memref<1024x256xf32, #tpu.memory_space<vmem_shared>>, %arg22: memref<1024x16xf32, #tpu.memory_space<vmem_shared>>, %arg23: memref<!tpu.dma_semaphore, #tpu.memory_space<semaphore_mem>>, %arg24: memref<!tpu.dma_semaphore, #tpu.memory_space<semaphore_mem>>) attributes {dimension_semantics = [#tpu.dimension_semantics<core_parallel>, #tpu.dimension_semantics<subcore_parallel>], iteration_bounds = array<i64: 2, 16>, scalar_prefetch = 0 : i64, scratch_operands = 14 : i64, tpu.core_type = #tpu.core_type<sc_vector_subcore>, window_params = [{transform_indices = #map}, {transform_indices = #map1}, {transform_indices = #map1}, {transform_indices = #map1}, {transform_indices = #map1}, {transform_indices = #map}, {transform_indices = #map}, {transform_indices = #map2}, {transform_indices = #map2}]} {
    %mul3A = arith.constant 2 : i32
    %mul3A_0 = arith.muli %arg1, %mul3A : i32
    %add3A = arith.addi %mul3A_0, %arg0 : i32
    "tpu.region"() ({
      %run_scoped3A = tpu.sem_alloc : memref<!tpu.dma_semaphore, #tpu.memory_space<semaphore_mem>>
      tpu.enqueue_dma source(%arg5 : memref<1024xf32, #tpu.memory_space<hbm>>) target(%arg19 : memref<1024xf32, #tpu.memory_space<vmem>>) target_semaphore(%run_scoped3A : memref<!tpu.dma_semaphore, #tpu.memory_space<semaphore_mem>>)
      tpu.wait_dma2 semaphore(%run_scoped3A : memref<!tpu.dma_semaphore, #tpu.memory_space<semaphore_mem>>) src(%arg5 : memref<1024xf32, #tpu.memory_space<hbm>>) dst(%arg19 : memref<1024xf32, #tpu.memory_space<vmem>>)
      tpu.yield
    }) : () -> ()
    "tpu.region"() ({
      %run_scoped3A = tpu.sem_alloc : memref<!tpu.dma_semaphore, #tpu.memory_space<semaphore_mem>>
      tpu.enqueue_dma source(%arg6 : memref<16xf32, #tpu.memory_space<hbm>>) target(%arg20 : memref<16xf32, #tpu.memory_space<vmem>>) target_semaphore(%run_scoped3A : memref<!tpu.dma_semaphore, #tpu.memory_space<semaphore_mem>>)
      tpu.wait_dma2 semaphore(%run_scoped3A : memref<!tpu.dma_semaphore, #tpu.memory_space<semaphore_mem>>) src(%arg6 : memref<16xf32, #tpu.memory_space<hbm>>) dst(%arg20 : memref<16xf32, #tpu.memory_space<vmem>>)
      tpu.yield
    }) : () -> ()
    %broadcast_in_dim3A = arith.constant 0.000000e+00 : f32
    %broadcast_in_dim3A_1 = vector.broadcast %broadcast_in_dim3A : f32 to vector<16xf32>
    %swap3A = arith.constant 0 : i32
    %swap3A_2 = arith.index_cast %swap3A : i32 to index
    %swap3A_3 = arith.constant 0 : index
    %swap3A_4 = tpu.vector_load %arg18[%swap3A_2, %swap3A_3] {strides = array<i32>} : memref<80x16xf32, #tpu.memory_space<vmem>>, vector<16xf32>,
    tpu.vector_store %arg18[%swap3A_2, %swap3A_3], %broadcast_in_dim3A_1 {strides = array<i32>} : memref<80x16xf32, #tpu.memory_space<vmem>>, vector<16xf32>,
    %swap3A_5 = arith.constant 1 : i32
    %swap3A_6 = arith.index_cast %swap3A_5 : i32 to index
    %swap3A_7 = arith.constant 0 : index
    %swap3A_8 = tpu.vector_load %arg18[%swap3A_6, %swap3A_7] {strides = array<i32>} : memref<80x16xf32, #tpu.memory_space<vmem>>, vector<16xf32>,
    tpu.vector_store %arg18[%swap3A_6, %swap3A_7], %broadcast_in_dim3A_1 {strides = array<i32>} : memref<80x16xf32, #tpu.memory_space<vmem>>, vector<16xf32>,
    %swap3A_9 = arith.constant 2 : i32
    %swap3A_10 = arith.index_cast %swap3A_9 : i32 to index
    %swap3A_11 = arith.constant 0 : index
    %swap3A_12 = tpu.vector_load %arg18[%swap3A_10, %swap3A_11] {strides = array<i32>} : memref<80x16xf32, #tpu.memory_space<vmem>>, vector<16xf32>,
    tpu.vector_store %arg18[%swap3A_10, %swap3A_11], %broadcast_in_dim3A_1 {strides = array<i32>} : memref<80x16xf32, #tpu.memory_space<vmem>>, vector<16xf32>,
    %swap3A_13 = arith.constant 3 : i32
    %swap3A_14 = arith.index_cast %swap3A_13 : i32 to index
    %swap3A_15 = arith.constant 0 : index
    %swap3A_16 = tpu.vector_load %arg18[%swap3A_14, %swap3A_15] {strides = array<i32>} : memref<80x16xf32, #tpu.memory_space<vmem>>, vector<16xf32>,
    tpu.vector_store %arg18[%swap3A_14, %swap3A_15], %broadcast_in_dim3A_1 {strides = array<i32>} : memref<80x16xf32, #tpu.memory_space<vmem>>, vector<16xf32>,
    %swap3A_17 = arith.constant 4 : i32
    %swap3A_18 = arith.index_cast %swap3A_17 : i32 to index
    %swap3A_19 = arith.constant 0 : index
    %swap3A_20 = tpu.vector_load %arg18[%swap3A_18, %swap3A_19] {strides = array<i32>} : memref<80x16xf32, #tpu.memory_space<vmem>>, vector<16xf32>,
    tpu.vector_store %arg18[%swap3A_18, %swap3A_19], %broadcast_in_dim3A_1 {strides = array<i32>} : memref<80x16xf32, #tpu.memory_space<vmem>>, vector<16xf32>,
    %swap3A_21 = arith.constant 5 : i32
    %swap3A_22 = arith.index_cast %swap3A_21 : i32 to index
    %swap3A_23 = arith.constant 0 : index
    %swap3A_24 = tpu.vector_load %arg18[%swap3A_22, %swap3A_23] {strides = array<i32>} : memref<80x16xf32, #tpu.memory_space<vmem>>, vector<16xf32>,
    tpu.vector_store %arg18[%swap3A_22, %swap3A_23], %broadcast_in_dim3A_1 {strides = array<i32>} : memref<80x16xf32, #tpu.memory_space<vmem>>, vector<16xf32>,
    %swap3A_25 = arith.constant 6 : i32
    %swap3A_26 = arith.index_cast %swap3A_25 : i32 to index
    %swap3A_27 = arith.constant 0 : index
    %swap3A_28 = tpu.vector_load %arg18[%swap3A_26, %swap3A_27] {strides = array<i32>} : memref<80x16xf32, #tpu.memory_space<vmem>>, vector<16xf32>,
    tpu.vector_store %arg18[%swap3A_26, %swap3A_27], %broadcast_in_dim3A_1 {strides = array<i32>} : memref<80x16xf32, #tpu.memory_space<vmem>>, vector<16xf32>,
    %swap3A_29 = arith.constant 7 : i32
    %swap3A_30 = arith.index_cast %swap3A_29 : i32 to index
    %swap3A_31 = arith.constant 0 : index
    %swap3A_32 = tpu.vector_load %arg18[%swap3A_30, %swap3A_31] {strides = array<i32>} : memref<80x16xf32, #tpu.memory_space<vmem>>, vector<16xf32>,
    tpu.vector_store %arg18[%swap3A_30, %swap3A_31], %broadcast_in_dim3A_1 {strides = array<i32>} : memref<80x16xf32, #tpu.memory_space<vmem>>, vector<16xf32>,
    %swap3A_33 = arith.constant 8 : i32
    %swap3A_34 = arith.index_cast %swap3A_33 : i32 to index
    %swap3A_35 = arith.constant 0 : index
    %swap3A_36 = tpu.vector_load %arg18[%swap3A_34, %swap3A_35] {strides = array<i32>} : memref<80x16xf32, #tpu.memory_space<vmem>>, vector<16xf32>,
    tpu.vector_store %arg18[%swap3A_34, %swap3A_35], %broadcast_in_dim3A_1 {strides = array<i32>} : memref<80x16xf32, #tpu.memory_space<vmem>>, vector<16xf32>,
    %swap3A_37 = arith.constant 9 : i32
    %swap3A_38 = arith.index_cast %swap3A_37 : i32 to index
    %swap3A_39 = arith.constant 0 : index
    %swap3A_40 = tpu.vector_load %arg18[%swap3A_38, %swap3A_39] {strides = array<i32>} : memref<80x16xf32, #tpu.memory_space<vmem>>, vector<16xf32>,
    tpu.vector_store %arg18[%swap3A_38, %swap3A_39], %broadcast_in_dim3A_1 {strides = array<i32>} : memref<80x16xf32, #tpu.memory_space<vmem>>, vector<16xf32>,
    %swap3A_41 = arith.constant 10 : i32
    %swap3A_42 = arith.index_cast %swap3A_41 : i32 to index
    %swap3A_43 = arith.constant 0 : index
    %swap3A_44 = tpu.vector_load %arg18[%swap3A_42, %swap3A_43] {strides = array<i32>} : memref<80x16xf32, #tpu.memory_space<vmem>>, vector<16xf32>,
    tpu.vector_store %arg18[%swap3A_42, %swap3A_43], %broadcast_in_dim3A_1 {strides = array<i32>} : memref<80x16xf32, #tpu.memory_space<vmem>>, vector<16xf32>,
    %swap3A_45 = arith.constant 11 : i32
    %swap3A_46 = arith.index_cast %swap3A_45 : i32 to index
    %swap3A_47 = arith.constant 0 : index
    %swap3A_48 = tpu.vector_load %arg18[%swap3A_46, %swap3A_47] {strides = array<i32>} : memref<80x16xf32, #tpu.memory_space<vmem>>, vector<16xf32>,
    tpu.vector_store %arg18[%swap3A_46, %swap3A_47], %broadcast_in_dim3A_1 {strides = array<i32>} : memref<80x16xf32, #tpu.memory_space<vmem>>, vector<16xf32>,
    %swap3A_49 = arith.constant 12 : i32
    %swap3A_50 = arith.index_cast %swap3A_49 : i32 to index
    %swap3A_51 = arith.constant 0 : index
    %swap3A_52 = tpu.vector_load %arg18[%swap3A_50, %swap3A_51] {strides = array<i32>} : memref<80x16xf32, #tpu.memory_space<vmem>>, vector<16xf32>,
    tpu.vector_store %arg18[%swap3A_50, %swap3A_51], %broadcast_in_dim3A_1 {strides = array<i32>} : memref<80x16xf32, #tpu.memory_space<vmem>>, vector<16xf32>,
    %swap3A_53 = arith.constant 13 : i32
    %swap3A_54 = arith.index_cast %swap3A_53 : i32 to index
    %swap3A_55 = arith.constant 0 : index
    %swap3A_56 = tpu.vector_load %arg18[%swap3A_54, %swap3A_55] {strides = array<i32>} : memref<80x16xf32, #tpu.memory_space<vmem>>, vector<16xf32>,
    tpu.vector_store %arg18[%swap3A_54, %swap3A_55], %broadcast_in_dim3A_1 {strides = array<i32>} : memref<80x16xf32, #tpu.memory_space<vmem>>, vector<16xf32>,
    %swap3A_57 = arith.constant 14 : i32
    %swap3A_58 = arith.index_cast %swap3A_57 : i32 to index
    %swap3A_59 = arith.constant 0 : index
    %swap3A_60 = tpu.vector_load %arg18[%swap3A_58, %swap3A_59] {strides = array<i32>} : memref<80x16xf32, #tpu.memory_space<vmem>>, vector<16xf32>,
    tpu.vector_store %arg18[%swap3A_58, %swap3A_59], %broadcast_in_dim3A_1 {strides = array<i32>} : memref<80x16xf32, #tpu.memory_space<vmem>>, vector<16xf32>,
    %swap3A_61 = arith.constant 15 : i32
    %swap3A_62 = arith.index_cast %swap3A_61 : i32 to index
    %swap3A_63 = arith.constant 0 : index
    %swap3A_64 = tpu.vector_load %arg18[%swap3A_62, %swap3A_63] {strides = array<i32>} : memref<80x16xf32, #tpu.memory_space<vmem>>, vector<16xf32>,
    tpu.vector_store %arg18[%swap3A_62, %swap3A_63], %broadcast_in_dim3A_1 {strides = array<i32>} : memref<80x16xf32, #tpu.memory_space<vmem>>, vector<16xf32>,
    %swap3A_65 = arith.constant 16 : i32
    %swap3A_66 = arith.index_cast %swap3A_65 : i32 to index
    %swap3A_67 = arith.constant 0 : index
    %swap3A_68 = tpu.vector_load %arg18[%swap3A_66, %swap3A_67] {strides = array<i32>} : memref<80x16xf32, #tpu.memory_space<vmem>>, vector<16xf32>,
    tpu.vector_store %arg18[%swap3A_66, %swap3A_67], %broadcast_in_dim3A_1 {strides = array<i32>} : memref<80x16xf32, #tpu.memory_space<vmem>>, vector<16xf32>,
    %swap3A_69 = arith.constant 17 : i32
    %swap3A_70 = arith.index_cast %swap3A_69 : i32 to index
    %swap3A_71 = arith.constant 0 : index
    %swap3A_72 = tpu.vector_load %arg18[%swap3A_70, %swap3A_71] {strides = array<i32>} : memref<80x16xf32, #tpu.memory_space<vmem>>, vector<16xf32>,
    tpu.vector_store %arg18[%swap3A_70, %swap3A_71], %broadcast_in_dim3A_1 {strides = array<i32>} : memref<80x16xf32, #tpu.memory_space<vmem>>, vector<16xf32>,
    %swap3A_73 = arith.constant 18 : i32
    %swap3A_74 = arith.index_cast %swap3A_73 : i32 to index
    %swap3A_75 = arith.constant 0 : index
    %swap3A_76 = tpu.vector_load %arg18[%swap3A_74, %swap3A_75] {strides = array<i32>} : memref<80x16xf32, #tpu.memory_space<vmem>>, vector<16xf32>,
    tpu.vector_store %arg18[%swap3A_74, %swap3A_75], %broadcast_in_dim3A_1 {strides = array<i32>} : memref<80x16xf32, #tpu.memory_space<vmem>>, vector<16xf32>,
    %swap3A_77 = arith.constant 19 : i32
    %swap3A_78 = arith.index_cast %swap3A_77 : i32 to index
    %swap3A_79 = arith.constant 0 : index
    %swap3A_80 = tpu.vector_load %arg18[%swap3A_78, %swap3A_79] {strides = array<i32>} : memref<80x16xf32, #tpu.memory_space<vmem>>, vector<16xf32>,
    tpu.vector_store %arg18[%swap3A_78, %swap3A_79], %broadcast_in_dim3A_1 {strides = array<i32>} : memref<80x16xf32, #tpu.memory_space<vmem>>, vector<16xf32>,
    %swap3A_81 = arith.constant 20 : i32
    %swap3A_82 = arith.index_cast %swap3A_81 : i32 to index
    %swap3A_83 = arith.constant 0 : index
    %swap3A_84 = tpu.vector_load %arg18[%swap3A_82, %swap3A_83] {strides = array<i32>} : memref<80x16xf32, #tpu.memory_space<vmem>>, vector<16xf32>,
    tpu.vector_store %arg18[%swap3A_82, %swap3A_83], %broadcast_in_dim3A_1 {strides = array<i32>} : memref<80x16xf32, #tpu.memory_space<vmem>>, vector<16xf32>,
    %swap3A_85 = arith.constant 21 : i32
    %swap3A_86 = arith.index_cast %swap3A_85 : i32 to index
    %swap3A_87 = arith.constant 0 : index
    %swap3A_88 = tpu.vector_load %arg18[%swap3A_86, %swap3A_87] {strides = array<i32>} : memref<80x16xf32, #tpu.memory_space<vmem>>, vector<16xf32>,
    tpu.vector_store %arg18[%swap3A_86, %swap3A_87], %broadcast_in_dim3A_1 {strides = array<i32>} : memref<80x16xf32, #tpu.memory_space<vmem>>, vector<16xf32>,
    %swap3A_89 = arith.constant 22 : i32
    %swap3A_90 = arith.index_cast %swap3A_89 : i32 to index
    %swap3A_91 = arith.constant 0 : index
    %swap3A_92 = tpu.vector_load %arg18[%swap3A_90, %swap3A_91] {strides = array<i32>} : memref<80x16xf32, #tpu.memory_space<vmem>>, vector<16xf32>,
    tpu.vector_store %arg18[%swap3A_90, %swap3A_91], %broadcast_in_dim3A_1 {strides = array<i32>} : memref<80x16xf32, #tpu.memory_space<vmem>>, vector<16xf32>,
    %swap3A_93 = arith.constant 23 : i32
    %swap3A_94 = arith.index_cast %swap3A_93 : i32 to index
    %swap3A_95 = arith.constant 0 : index
    %swap3A_96 = tpu.vector_load %arg18[%swap3A_94, %swap3A_95] {strides = array<i32>} : memref<80x16xf32, #tpu.memory_space<vmem>>, vector<16xf32>,
    tpu.vector_store %arg18[%swap3A_94, %swap3A_95], %broadcast_in_dim3A_1 {strides = array<i32>} : memref<80x16xf32, #tpu.memory_space<vmem>>, vector<16xf32>,
    %swap3A_97 = arith.constant 24 : i32
    %swap3A_98 = arith.index_cast %swap3A_97 : i32 to index
    %swap3A_99 = arith.constant 0 : index
    %swap3A_100 = tpu.vector_load %arg18[%swap3A_98, %swap3A_99] {strides = array<i32>} : memref<80x16xf32, #tpu.memory_space<vmem>>, vector<16xf32>,
    tpu.vector_store %arg18[%swap3A_98, %swap3A_99], %broadcast_in_dim3A_1 {strides = array<i32>} : memref<80x16xf32, #tpu.memory_space<vmem>>, vector<16xf32>,
    %swap3A_101 = arith.constant 25 : i32
    %swap3A_102 = arith.index_cast %swap3A_101 : i32 to index
    %swap3A_103 = arith.constant 0 : index
    %swap3A_104 = tpu.vector_load %arg18[%swap3A_102, %swap3A_103] {strides = array<i32>} : memref<80x16xf32, #tpu.memory_space<vmem>>, vector<16xf32>,
    tpu.vector_store %arg18[%swap3A_102, %swap3A_103], %broadcast_in_dim3A_1 {strides = array<i32>} : memref<80x16xf32, #tpu.memory_space<vmem>>, vector<16xf32>,
    %swap3A_105 = arith.constant 26 : i32
    %swap3A_106 = arith.index_cast %swap3A_105 : i32 to index
    %swap3A_107 = arith.constant 0 : index
    %swap3A_108 = tpu.vector_load %arg18[%swap3A_106, %swap3A_107] {strides = array<i32>} : memref<80x16xf32, #tpu.memory_space<vmem>>, vector<16xf32>,
    tpu.vector_store %arg18[%swap3A_106, %swap3A_107], %broadcast_in_dim3A_1 {strides = array<i32>} : memref<80x16xf32, #tpu.memory_space<vmem>>, vector<16xf32>,
    %swap3A_109 = arith.constant 27 : i32
    %swap3A_110 = arith.index_cast %swap3A_109 : i32 to index
    %swap3A_111 = arith.constant 0 : index
    %swap3A_112 = tpu.vector_load %arg18[%swap3A_110, %swap3A_111] {strides = array<i32>} : memref<80x16xf32, #tpu.memory_space<vmem>>, vector<16xf32>,
    tpu.vector_store %arg18[%swap3A_110, %swap3A_111], %broadcast_in_dim3A_1 {strides = array<i32>} : memref<80x16xf32, #tpu.memory_space<vmem>>, vector<16xf32>,
    %swap3A_113 = arith.constant 28 : i32
    %swap3A_114 = arith.index_cast %swap3A_113 : i32 to index
    %swap3A_115 = arith.constant 0 : index
    %swap3A_116 = tpu.vector_load %arg18[%swap3A_114, %swap3A_115] {strides = array<i32>} : memref<80x16xf32, #tpu.memory_space<vmem>>, vector<16xf32>,
    tpu.vector_store %arg18[%swap3A_114, %swap3A_115], %broadcast_in_dim3A_1 {strides = array<i32>} : memref<80x16xf32, #tpu.memory_space<vmem>>, vector<16xf32>,
    %swap3A_117 = arith.constant 29 : i32
    %swap3A_118 = arith.index_cast %swap3A_117 : i32 to index
    %swap3A_119 = arith.constant 0 : index
    %swap3A_120 = tpu.vector_load %arg18[%swap3A_118, %swap3A_119] {strides = array<i32>} : memref<80x16xf32, #tpu.memory_space<vmem>>, vector<16xf32>,
    tpu.vector_store %arg18[%swap3A_118, %swap3A_119], %broadcast_in_dim3A_1 {strides = array<i32>} : memref<80x16xf32, #tpu.memory_space<vmem>>, vector<16xf32>,
    %swap3A_121 = arith.constant 30 : i32
    %swap3A_122 = arith.index_cast %swap3A_121 : i32 to index
    %swap3A_123 = arith.constant 0 : index
    %swap3A_124 = tpu.vector_load %arg18[%swap3A_122, %swap3A_123] {strides = array<i32>} : memref<80x16xf32, #tpu.memory_space<vmem>>, vector<16xf32>,
    tpu.vector_store %arg18[%swap3A_122, %swap3A_123], %broadcast_in_dim3A_1 {strides = array<i32>} : memref<80x16xf32, #tpu.memory_space<vmem>>, vector<16xf32>,
    %swap3A_125 = arith.constant 31 : i32
    %swap3A_126 = arith.index_cast %swap3A_125 : i32 to index
    %swap3A_127 = arith.constant 0 : index
    %swap3A_128 = tpu.vector_load %arg18[%swap3A_126, %swap3A_127] {strides = array<i32>} : memref<80x16xf32, #tpu.memory_space<vmem>>, vector<16xf32>,
    tpu.vector_store %arg18[%swap3A_126, %swap3A_127], %broadcast_in_dim3A_1 {strides = array<i32>} : memref<80x16xf32, #tpu.memory_space<vmem>>, vector<16xf32>,
    %swap3A_129 = arith.constant 32 : i32
    %swap3A_130 = arith.index_cast %swap3A_129 : i32 to index
    %swap3A_131 = arith.constant 0 : index
    %swap3A_132 = tpu.vector_load %arg18[%swap3A_130, %swap3A_131] {strides = array<i32>} : memref<80x16xf32, #tpu.memory_space<vmem>>, vector<16xf32>,
    tpu.vector_store %arg18[%swap3A_130, %swap3A_131], %broadcast_in_dim3A_1 {strides = array<i32>} : memref<80x16xf32, #tpu.memory_space<vmem>>, vector<16xf32>,
    %swap3A_133 = arith.constant 33 : i32
    %swap3A_134 = arith.index_cast %swap3A_133 : i32 to index
    %swap3A_135 = arith.constant 0 : index
    %swap3A_136 = tpu.vector_load %arg18[%swap3A_134, %swap3A_135] {strides = array<i32>} : memref<80x16xf32, #tpu.memory_space<vmem>>, vector<16xf32>,
    tpu.vector_store %arg18[%swap3A_134, %swap3A_135], %broadcast_in_dim3A_1 {strides = array<i32>} : memref<80x16xf32, #tpu.memory_space<vmem>>, vector<16xf32>,
    %swap3A_137 = arith.constant 34 : i32
    %swap3A_138 = arith.index_cast %swap3A_137 : i32 to index
    %swap3A_139 = arith.constant 0 : index
    %swap3A_140 = tpu.vector_load %arg18[%swap3A_138, %swap3A_139] {strides = array<i32>} : memref<80x16xf32, #tpu.memory_space<vmem>>, vector<16xf32>,
    tpu.vector_store %arg18[%swap3A_138, %swap3A_139], %broadcast_in_dim3A_1 {strides = array<i32>} : memref<80x16xf32, #tpu.memory_space<vmem>>, vector<16xf32>,
    %swap3A_141 = arith.constant 35 : i32
    %swap3A_142 = arith.index_cast %swap3A_141 : i32 to index
    %swap3A_143 = arith.constant 0 : index
    %swap3A_144 = tpu.vector_load %arg18[%swap3A_142, %swap3A_143] {strides = array<i32>} : memref<80x16xf32, #tpu.memory_space<vmem>>, vector<16xf32>,
    tpu.vector_store %arg18[%swap3A_142, %swap3A_143], %broadcast_in_dim3A_1 {strides = array<i32>} : memref<80x16xf32, #tpu.memory_space<vmem>>, vector<16xf32>,
    %swap3A_145 = arith.constant 36 : i32
    %swap3A_146 = arith.index_cast %swap3A_145 : i32 to index
    %swap3A_147 = arith.constant 0 : index
    %swap3A_148 = tpu.vector_load %arg18[%swap3A_146, %swap3A_147] {strides = array<i32>} : memref<80x16xf32, #tpu.memory_space<vmem>>, vector<16xf32>,
    tpu.vector_store %arg18[%swap3A_146, %swap3A_147], %broadcast_in_dim3A_1 {strides = array<i32>} : memref<80x16xf32, #tpu.memory_space<vmem>>, vector<16xf32>,
    %swap3A_149 = arith.constant 37 : i32
    %swap3A_150 = arith.index_cast %swap3A_149 : i32 to index
    %swap3A_151 = arith.constant 0 : index
    %swap3A_152 = tpu.vector_load %arg18[%swap3A_150, %swap3A_151] {strides = array<i32>} : memref<80x16xf32, #tpu.memory_space<vmem>>, vector<16xf32>,
    tpu.vector_store %arg18[%swap3A_150, %swap3A_151], %broadcast_in_dim3A_1 {strides = array<i32>} : memref<80x16xf32, #tpu.memory_space<vmem>>, vector<16xf32>,
    %swap3A_153 = arith.constant 38 : i32
    %swap3A_154 = arith.index_cast %swap3A_153 : i32 to index
    %swap3A_155 = arith.constant 0 : index
    %swap3A_156 = tpu.vector_load %arg18[%swap3A_154, %swap3A_155] {strides = array<i32>} : memref<80x16xf32, #tpu.memory_space<vmem>>, vector<16xf32>,
    tpu.vector_store %arg18[%swap3A_154, %swap3A_155], %broadcast_in_dim3A_1 {strides = array<i32>} : memref<80x16xf32, #tpu.memory_space<vmem>>, vector<16xf32>,
    %swap3A_157 = arith.constant 39 : i32
    %swap3A_158 = arith.index_cast %swap3A_157 : i32 to index
    %swap3A_159 = arith.constant 0 : index
    %swap3A_160 = tpu.vector_load %arg18[%swap3A_158, %swap3A_159] {strides = array<i32>} : memref<80x16xf32, #tpu.memory_space<vmem>>, vector<16xf32>,
    tpu.vector_store %arg18[%swap3A_158, %swap3A_159], %broadcast_in_dim3A_1 {strides = array<i32>} : memref<80x16xf32, #tpu.memory_space<vmem>>, vector<16xf32>,
    %swap3A_161 = arith.constant 40 : i32
    %swap3A_162 = arith.index_cast %swap3A_161 : i32 to index
    %swap3A_163 = arith.constant 0 : index
    %swap3A_164 = tpu.vector_load %arg18[%swap3A_162, %swap3A_163] {strides = array<i32>} : memref<80x16xf32, #tpu.memory_space<vmem>>, vector<16xf32>,
    tpu.vector_store %arg18[%swap3A_162, %swap3A_163], %broadcast_in_dim3A_1 {strides = array<i32>} : memref<80x16xf32, #tpu.memory_space<vmem>>, vector<16xf32>,
    %swap3A_165 = arith.constant 41 : i32
    %swap3A_166 = arith.index_cast %swap3A_165 : i32 to index
    %swap3A_167 = arith.constant 0 : index
    %swap3A_168 = tpu.vector_load %arg18[%swap3A_166, %swap3A_167] {strides = array<i32>} : memref<80x16xf32, #tpu.memory_space<vmem>>, vector<16xf32>,
    tpu.vector_store %arg18[%swap3A_166, %swap3A_167], %broadcast_in_dim3A_1 {strides = array<i32>} : memref<80x16xf32, #tpu.memory_space<vmem>>, vector<16xf32>,
    %swap3A_169 = arith.constant 42 : i32
    %swap3A_170 = arith.index_cast %swap3A_169 : i32 to index
    %swap3A_171 = arith.constant 0 : index
    %swap3A_172 = tpu.vector_load %arg18[%swap3A_170, %swap3A_171] {strides = array<i32>} : memref<80x16xf32, #tpu.memory_space<vmem>>, vector<16xf32>,
    tpu.vector_store %arg18[%swap3A_170, %swap3A_171], %broadcast_in_dim3A_1 {strides = array<i32>} : memref<80x16xf32, #tpu.memory_space<vmem>>, vector<16xf32>,
    %swap3A_173 = arith.constant 43 : i32
    %swap3A_174 = arith.index_cast %swap3A_173 : i32 to index
    %swap3A_175 = arith.constant 0 : index
    %swap3A_176 = tpu.vector_load %arg18[%swap3A_174, %swap3A_175] {strides = array<i32>} : memref<80x16xf32, #tpu.memory_space<vmem>>, vector<16xf32>,
    tpu.vector_store %arg18[%swap3A_174, %swap3A_175], %broadcast_in_dim3A_1 {strides = array<i32>} : memref<80x16xf32, #tpu.memory_space<vmem>>, vector<16xf32>,
    %swap3A_177 = arith.constant 44 : i32
    %swap3A_178 = arith.index_cast %swap3A_177 : i32 to index
    %swap3A_179 = arith.constant 0 : index
    %swap3A_180 = tpu.vector_load %arg18[%swap3A_178, %swap3A_179] {strides = array<i32>} : memref<80x16xf32, #tpu.memory_space<vmem>>, vector<16xf32>,
    tpu.vector_store %arg18[%swap3A_178, %swap3A_179], %broadcast_in_dim3A_1 {strides = array<i32>} : memref<80x16xf32, #tpu.memory_space<vmem>>, vector<16xf32>,
    %swap3A_181 = arith.constant 45 : i32
    %swap3A_182 = arith.index_cast %swap3A_181 : i32 to index
    %swap3A_183 = arith.constant 0 : index
    %swap3A_184 = tpu.vector_load %arg18[%swap3A_182, %swap3A_183] {strides = array<i32>} : memref<80x16xf32, #tpu.memory_space<vmem>>, vector<16xf32>,
    tpu.vector_store %arg18[%swap3A_182, %swap3A_183], %broadcast_in_dim3A_1 {strides = array<i32>} : memref<80x16xf32, #tpu.memory_space<vmem>>, vector<16xf32>,
    %swap3A_185 = arith.constant 46 : i32
    %swap3A_186 = arith.index_cast %swap3A_185 : i32 to index
    %swap3A_187 = arith.constant 0 : index
    %swap3A_188 = tpu.vector_load %arg18[%swap3A_186, %swap3A_187] {strides = array<i32>} : memref<80x16xf32, #tpu.memory_space<vmem>>, vector<16xf32>,
    tpu.vector_store %arg18[%swap3A_186, %swap3A_187], %broadcast_in_dim3A_1 {strides = array<i32>} : memref<80x16xf32, #tpu.memory_space<vmem>>, vector<16xf32>,
    %swap3A_189 = arith.constant 47 : i32
    %swap3A_190 = arith.index_cast %swap3A_189 : i32 to index
    %swap3A_191 = arith.constant 0 : index
    %swap3A_192 = tpu.vector_load %arg18[%swap3A_190, %swap3A_191] {strides = array<i32>} : memref<80x16xf32, #tpu.memory_space<vmem>>, vector<16xf32>,
    tpu.vector_store %arg18[%swap3A_190, %swap3A_191], %broadcast_in_dim3A_1 {strides = array<i32>} : memref<80x16xf32, #tpu.memory_space<vmem>>, vector<16xf32>,
    %swap3A_193 = arith.constant 48 : i32
    %swap3A_194 = arith.index_cast %swap3A_193 : i32 to index
    %swap3A_195 = arith.constant 0 : index
    %swap3A_196 = tpu.vector_load %arg18[%swap3A_194, %swap3A_195] {strides = array<i32>} : memref<80x16xf32, #tpu.memory_space<vmem>>, vector<16xf32>,
    tpu.vector_store %arg18[%swap3A_194, %swap3A_195], %broadcast_in_dim3A_1 {strides = array<i32>} : memref<80x16xf32, #tpu.memory_space<vmem>>, vector<16xf32>,
    %swap3A_197 = arith.constant 49 : i32
    %swap3A_198 = arith.index_cast %swap3A_197 : i32 to index
    %swap3A_199 = arith.constant 0 : index
    %swap3A_200 = tpu.vector_load %arg18[%swap3A_198, %swap3A_199] {strides = array<i32>} : memref<80x16xf32, #tpu.memory_space<vmem>>, vector<16xf32>,
    tpu.vector_store %arg18[%swap3A_198, %swap3A_199], %broadcast_in_dim3A_1 {strides = array<i32>} : memref<80x16xf32, #tpu.memory_space<vmem>>, vector<16xf32>,
    %swap3A_201 = arith.constant 50 : i32
    %swap3A_202 = arith.index_cast %swap3A_201 : i32 to index
    %swap3A_203 = arith.constant 0 : index
    %swap3A_204 = tpu.vector_load %arg18[%swap3A_202, %swap3A_203] {strides = array<i32>} : memref<80x16xf32, #tpu.memory_space<vmem>>, vector<16xf32>,
    tpu.vector_store %arg18[%swap3A_202, %swap3A_203], %broadcast_in_dim3A_1 {strides = array<i32>} : memref<80x16xf32, #tpu.memory_space<vmem>>, vector<16xf32>,
    %swap3A_205 = arith.constant 51 : i32
    %swap3A_206 = arith.index_cast %swap3A_205 : i32 to index
    %swap3A_207 = arith.constant 0 : index
    %swap3A_208 = tpu.vector_load %arg18[%swap3A_206, %swap3A_207] {strides = array<i32>} : memref<80x16xf32, #tpu.memory_space<vmem>>, vector<16xf32>,
    tpu.vector_store %arg18[%swap3A_206, %swap3A_207], %broadcast_in_dim3A_1 {strides = array<i32>} : memref<80x16xf32, #tpu.memory_space<vmem>>, vector<16xf32>,
    %swap3A_209 = arith.constant 52 : i32
    %swap3A_210 = arith.index_cast %swap3A_209 : i32 to index
    %swap3A_211 = arith.constant 0 : index
    %swap3A_212 = tpu.vector_load %arg18[%swap3A_210, %swap3A_211] {strides = array<i32>} : memref<80x16xf32, #tpu.memory_space<vmem>>, vector<16xf32>,
    tpu.vector_store %arg18[%swap3A_210, %swap3A_211], %broadcast_in_dim3A_1 {strides = array<i32>} : memref<80x16xf32, #tpu.memory_space<vmem>>, vector<16xf32>,
    %swap3A_213 = arith.constant 53 : i32
    %swap3A_214 = arith.index_cast %swap3A_213 : i32 to index
    %swap3A_215 = arith.constant 0 : index
    %swap3A_216 = tpu.vector_load %arg18[%swap3A_214, %swap3A_215] {strides = array<i32>} : memref<80x16xf32, #tpu.memory_space<vmem>>, vector<16xf32>,
    tpu.vector_store %arg18[%swap3A_214, %swap3A_215], %broadcast_in_dim3A_1 {strides = array<i32>} : memref<80x16xf32, #tpu.memory_space<vmem>>, vector<16xf32>,
    %swap3A_217 = arith.constant 54 : i32
    %swap3A_218 = arith.index_cast %swap3A_217 : i32 to index
    %swap3A_219 = arith.constant 0 : index
    %swap3A_220 = tpu.vector_load %arg18[%swap3A_218, %swap3A_219] {strides = array<i32>} : memref<80x16xf32, #tpu.memory_space<vmem>>, vector<16xf32>,
    tpu.vector_store %arg18[%swap3A_218, %swap3A_219], %broadcast_in_dim3A_1 {strides = array<i32>} : memref<80x16xf32, #tpu.memory_space<vmem>>, vector<16xf32>,
    %swap3A_221 = arith.constant 55 : i32
    %swap3A_222 = arith.index_cast %swap3A_221 : i32 to index
    %swap3A_223 = arith.constant 0 : index
    %swap3A_224 = tpu.vector_load %arg18[%swap3A_222, %swap3A_223] {strides = array<i32>} : memref<80x16xf32, #tpu.memory_space<vmem>>, vector<16xf32>,
    tpu.vector_store %arg18[%swap3A_222, %swap3A_223], %broadcast_in_dim3A_1 {strides = array<i32>} : memref<80x16xf32, #tpu.memory_space<vmem>>, vector<16xf32>,
    %swap3A_225 = arith.constant 56 : i32
    %swap3A_226 = arith.index_cast %swap3A_225 : i32 to index
    %swap3A_227 = arith.constant 0 : index
    %swap3A_228 = tpu.vector_load %arg18[%swap3A_226, %swap3A_227] {strides = array<i32>} : memref<80x16xf32, #tpu.memory_space<vmem>>, vector<16xf32>,
    tpu.vector_store %arg18[%swap3A_226, %swap3A_227], %broadcast_in_dim3A_1 {strides = array<i32>} : memref<80x16xf32, #tpu.memory_space<vmem>>, vector<16xf32>,
    %swap3A_229 = arith.constant 57 : i32
    %swap3A_230 = arith.index_cast %swap3A_229 : i32 to index
    %swap3A_231 = arith.constant 0 : index
    %swap3A_232 = tpu.vector_load %arg18[%swap3A_230, %swap3A_231] {strides = array<i32>} : memref<80x16xf32, #tpu.memory_space<vmem>>, vector<16xf32>,
    tpu.vector_store %arg18[%swap3A_230, %swap3A_231], %broadcast_in_dim3A_1 {strides = array<i32>} : memref<80x16xf32, #tpu.memory_space<vmem>>, vector<16xf32>,
    %swap3A_233 = arith.constant 58 : i32
    %swap3A_234 = arith.index_cast %swap3A_233 : i32 to index
    %swap3A_235 = arith.constant 0 : index
    %swap3A_236 = tpu.vector_load %arg18[%swap3A_234, %swap3A_235] {strides = array<i32>} : memref<80x16xf32, #tpu.memory_space<vmem>>, vector<16xf32>,
    tpu.vector_store %arg18[%swap3A_234, %swap3A_235], %broadcast_in_dim3A_1 {strides = array<i32>} : memref<80x16xf32, #tpu.memory_space<vmem>>, vector<16xf32>,
    %swap3A_237 = arith.constant 59 : i32
    %swap3A_238 = arith.index_cast %swap3A_237 : i32 to index
    %swap3A_239 = arith.constant 0 : index
    %swap3A_240 = tpu.vector_load %arg18[%swap3A_238, %swap3A_239] {strides = array<i32>} : memref<80x16xf32, #tpu.memory_space<vmem>>, vector<16xf32>,
    tpu.vector_store %arg18[%swap3A_238, %swap3A_239], %broadcast_in_dim3A_1 {strides = array<i32>} : memref<80x16xf32, #tpu.memory_space<vmem>>, vector<16xf32>,
    %swap3A_241 = arith.constant 60 : i32
    %swap3A_242 = arith.index_cast %swap3A_241 : i32 to index
    %swap3A_243 = arith.constant 0 : index
    %swap3A_244 = tpu.vector_load %arg18[%swap3A_242, %swap3A_243] {strides = array<i32>} : memref<80x16xf32, #tpu.memory_space<vmem>>, vector<16xf32>,
    tpu.vector_store %arg18[%swap3A_242, %swap3A_243], %broadcast_in_dim3A_1 {strides = array<i32>} : memref<80x16xf32, #tpu.memory_space<vmem>>, vector<16xf32>,
    %swap3A_245 = arith.constant 61 : i32
    %swap3A_246 = arith.index_cast %swap3A_245 : i32 to index
    %swap3A_247 = arith.constant 0 : index
    %swap3A_248 = tpu.vector_load %arg18[%swap3A_246, %swap3A_247] {strides = array<i32>} : memref<80x16xf32, #tpu.memory_space<vmem>>, vector<16xf32>,
    tpu.vector_store %arg18[%swap3A_246, %swap3A_247], %broadcast_in_dim3A_1 {strides = array<i32>} : memref<80x16xf32, #tpu.memory_space<vmem>>, vector<16xf32>,
    %swap3A_249 = arith.constant 62 : i32
    %swap3A_250 = arith.index_cast %swap3A_249 : i32 to index
    %swap3A_251 = arith.constant 0 : index
    %swap3A_252 = tpu.vector_load %arg18[%swap3A_250, %swap3A_251] {strides = array<i32>} : memref<80x16xf32, #tpu.memory_space<vmem>>, vector<16xf32>,
    tpu.vector_store %arg18[%swap3A_250, %swap3A_251], %broadcast_in_dim3A_1 {strides = array<i32>} : memref<80x16xf32, #tpu.memory_space<vmem>>, vector<16xf32>,
    %swap3A_253 = arith.constant 63 : i32
    %swap3A_254 = arith.index_cast %swap3A_253 : i32 to index
    %swap3A_255 = arith.constant 0 : index
    %swap3A_256 = tpu.vector_load %arg18[%swap3A_254, %swap3A_255] {strides = array<i32>} : memref<80x16xf32, #tpu.memory_space<vmem>>, vector<16xf32>,
    tpu.vector_store %arg18[%swap3A_254, %swap3A_255], %broadcast_in_dim3A_1 {strides = array<i32>} : memref<80x16xf32, #tpu.memory_space<vmem>>, vector<16xf32>,
    %swap3A_257 = arith.constant 64 : i32
    %swap3A_258 = arith.index_cast %swap3A_257 : i32 to index
    %swap3A_259 = arith.constant 0 : index
    %swap3A_260 = tpu.vector_load %arg18[%swap3A_258, %swap3A_259] {strides = array<i32>} : memref<80x16xf32, #tpu.memory_space<vmem>>, vector<16xf32>,
    tpu.vector_store %arg18[%swap3A_258, %swap3A_259], %broadcast_in_dim3A_1 {strides = array<i32>} : memref<80x16xf32, #tpu.memory_space<vmem>>, vector<16xf32>,
    %swap3A_261 = arith.constant 65 : i32
    %swap3A_262 = arith.index_cast %swap3A_261 : i32 to index
    %swap3A_263 = arith.constant 0 : index
    %swap3A_264 = tpu.vector_load %arg18[%swap3A_262, %swap3A_263] {strides = array<i32>} : memref<80x16xf32, #tpu.memory_space<vmem>>, vector<16xf32>,
    tpu.vector_store %arg18[%swap3A_262, %swap3A_263], %broadcast_in_dim3A_1 {strides = array<i32>} : memref<80x16xf32, #tpu.memory_space<vmem>>, vector<16xf32>,
    %swap3A_265 = arith.constant 66 : i32
    %swap3A_266 = arith.index_cast %swap3A_265 : i32 to index
    %swap3A_267 = arith.constant 0 : index
    %swap3A_268 = tpu.vector_load %arg18[%swap3A_266, %swap3A_267] {strides = array<i32>} : memref<80x16xf32, #tpu.memory_space<vmem>>, vector<16xf32>,
    tpu.vector_store %arg18[%swap3A_266, %swap3A_267], %broadcast_in_dim3A_1 {strides = array<i32>} : memref<80x16xf32, #tpu.memory_space<vmem>>, vector<16xf32>,
    %swap3A_269 = arith.constant 67 : i32
    %swap3A_270 = arith.index_cast %swap3A_269 : i32 to index
    %swap3A_271 = arith.constant 0 : index
    %swap3A_272 = tpu.vector_load %arg18[%swap3A_270, %swap3A_271] {strides = array<i32>} : memref<80x16xf32, #tpu.memory_space<vmem>>, vector<16xf32>,
    tpu.vector_store %arg18[%swap3A_270, %swap3A_271], %broadcast_in_dim3A_1 {strides = array<i32>} : memref<80x16xf32, #tpu.memory_space<vmem>>, vector<16xf32>,
    %swap3A_273 = arith.constant 68 : i32
    %swap3A_274 = arith.index_cast %swap3A_273 : i32 to index
    %swap3A_275 = arith.constant 0 : index
    %swap3A_276 = tpu.vector_load %arg18[%swap3A_274, %swap3A_275] {strides = array<i32>} : memref<80x16xf32, #tpu.memory_space<vmem>>, vector<16xf32>,
    tpu.vector_store %arg18[%swap3A_274, %swap3A_275], %broadcast_in_dim3A_1 {strides = array<i32>} : memref<80x16xf32, #tpu.memory_space<vmem>>, vector<16xf32>,
    %swap3A_277 = arith.constant 69 : i32
    %swap3A_278 = arith.index_cast %swap3A_277 : i32 to index
    %swap3A_279 = arith.constant 0 : index
    %swap3A_280 = tpu.vector_load %arg18[%swap3A_278, %swap3A_279] {strides = array<i32>} : memref<80x16xf32, #tpu.memory_space<vmem>>, vector<16xf32>,
    tpu.vector_store %arg18[%swap3A_278, %swap3A_279], %broadcast_in_dim3A_1 {strides = array<i32>} : memref<80x16xf32, #tpu.memory_space<vmem>>, vector<16xf32>,
    %swap3A_281 = arith.constant 70 : i32
    %swap3A_282 = arith.index_cast %swap3A_281 : i32 to index
    %swap3A_283 = arith.constant 0 : index
    %swap3A_284 = tpu.vector_load %arg18[%swap3A_282, %swap3A_283] {strides = array<i32>} : memref<80x16xf32, #tpu.memory_space<vmem>>, vector<16xf32>,
    tpu.vector_store %arg18[%swap3A_282, %swap3A_283], %broadcast_in_dim3A_1 {strides = array<i32>} : memref<80x16xf32, #tpu.memory_space<vmem>>, vector<16xf32>,
    %swap3A_285 = arith.constant 71 : i32
    %swap3A_286 = arith.index_cast %swap3A_285 : i32 to index
    %swap3A_287 = arith.constant 0 : index
    %swap3A_288 = tpu.vector_load %arg18[%swap3A_286, %swap3A_287] {strides = array<i32>} : memref<80x16xf32, #tpu.memory_space<vmem>>, vector<16xf32>,
    tpu.vector_store %arg18[%swap3A_286, %swap3A_287], %broadcast_in_dim3A_1 {strides = array<i32>} : memref<80x16xf32, #tpu.memory_space<vmem>>, vector<16xf32>,
    %swap3A_289 = arith.constant 72 : i32
    %swap3A_290 = arith.index_cast %swap3A_289 : i32 to index
    %swap3A_291 = arith.constant 0 : index
    %swap3A_292 = tpu.vector_load %arg18[%swap3A_290, %swap3A_291] {strides = array<i32>} : memref<80x16xf32, #tpu.memory_space<vmem>>, vector<16xf32>,
    tpu.vector_store %arg18[%swap3A_290, %swap3A_291], %broadcast_in_dim3A_1 {strides = array<i32>} : memref<80x16xf32, #tpu.memory_space<vmem>>, vector<16xf32>,
    %swap3A_293 = arith.constant 73 : i32
    %swap3A_294 = arith.index_cast %swap3A_293 : i32 to index
    %swap3A_295 = arith.constant 0 : index
    %swap3A_296 = tpu.vector_load %arg18[%swap3A_294, %swap3A_295] {strides = array<i32>} : memref<80x16xf32, #tpu.memory_space<vmem>>, vector<16xf32>,
    tpu.vector_store %arg18[%swap3A_294, %swap3A_295], %broadcast_in_dim3A_1 {strides = array<i32>} : memref<80x16xf32, #tpu.memory_space<vmem>>, vector<16xf32>,
    %swap3A_297 = arith.constant 74 : i32
    %swap3A_298 = arith.index_cast %swap3A_297 : i32 to index
    %swap3A_299 = arith.constant 0 : index
    %swap3A_300 = tpu.vector_load %arg18[%swap3A_298, %swap3A_299] {strides = array<i32>} : memref<80x16xf32, #tpu.memory_space<vmem>>, vector<16xf32>,
    tpu.vector_store %arg18[%swap3A_298, %swap3A_299], %broadcast_in_dim3A_1 {strides = array<i32>} : memref<80x16xf32, #tpu.memory_space<vmem>>, vector<16xf32>,
    %swap3A_301 = arith.constant 75 : i32
    %swap3A_302 = arith.index_cast %swap3A_301 : i32 to index
    %swap3A_303 = arith.constant 0 : index
    %swap3A_304 = tpu.vector_load %arg18[%swap3A_302, %swap3A_303] {strides = array<i32>} : memref<80x16xf32, #tpu.memory_space<vmem>>, vector<16xf32>,
    tpu.vector_store %arg18[%swap3A_302, %swap3A_303], %broadcast_in_dim3A_1 {strides = array<i32>} : memref<80x16xf32, #tpu.memory_space<vmem>>, vector<16xf32>,
    %swap3A_305 = arith.constant 76 : i32
    %swap3A_306 = arith.index_cast %swap3A_305 : i32 to index
    %swap3A_307 = arith.constant 0 : index
    %swap3A_308 = tpu.vector_load %arg18[%swap3A_306, %swap3A_307] {strides = array<i32>} : memref<80x16xf32, #tpu.memory_space<vmem>>, vector<16xf32>,
    tpu.vector_store %arg18[%swap3A_306, %swap3A_307], %broadcast_in_dim3A_1 {strides = array<i32>} : memref<80x16xf32, #tpu.memory_space<vmem>>, vector<16xf32>,
    %swap3A_309 = arith.constant 77 : i32
    %swap3A_310 = arith.index_cast %swap3A_309 : i32 to index
    %swap3A_311 = arith.constant 0 : index
    %swap3A_312 = tpu.vector_load %arg18[%swap3A_310, %swap3A_311] {strides = array<i32>} : memref<80x16xf32, #tpu.memory_space<vmem>>, vector<16xf32>,
    tpu.vector_store %arg18[%swap3A_310, %swap3A_311], %broadcast_in_dim3A_1 {strides = array<i32>} : memref<80x16xf32, #tpu.memory_space<vmem>>, vector<16xf32>,
    %swap3A_313 = arith.constant 78 : i32
    %swap3A_314 = arith.index_cast %swap3A_313 : i32 to index
    %swap3A_315 = arith.constant 0 : index
    %swap3A_316 = tpu.vector_load %arg18[%swap3A_314, %swap3A_315] {strides = array<i32>} : memref<80x16xf32, #tpu.memory_space<vmem>>, vector<16xf32>,
    tpu.vector_store %arg18[%swap3A_314, %swap3A_315], %broadcast_in_dim3A_1 {strides = array<i32>} : memref<80x16xf32, #tpu.memory_space<vmem>>, vector<16xf32>,
    %swap3A_317 = arith.constant 79 : i32
    %swap3A_318 = arith.index_cast %swap3A_317 : i32 to index
    %swap3A_319 = arith.constant 0 : index
    %swap3A_320 = tpu.vector_load %arg18[%swap3A_318, %swap3A_319] {strides = array<i32>} : memref<80x16xf32, #tpu.memory_space<vmem>>, vector<16xf32>,
    tpu.vector_store %arg18[%swap3A_318, %swap3A_319], %broadcast_in_dim3A_1 {strides = array<i32>} : memref<80x16xf32, #tpu.memory_space<vmem>>, vector<16xf32>,
    %eq3A = arith.constant 0 : i32
    %eq3A_321 = arith.cmpi eq, %arg1, %eq3A : i32
    %convert_element_type3A = arith.extui %eq3A_321 : i1 to i32
    %cond3A = arith.constant 0 : i32
    %cond3A_322 = arith.cmpi ne, %convert_element_type3A, %cond3A : i32
    scf.if %cond3A_322 {
      "tpu.region"() ({
        %run_scoped3A = tpu.sem_alloc : memref<!tpu.dma_semaphore, #tpu.memory_space<semaphore_mem>>
        tpu.enqueue_dma source(%arg7 : memref<1024x256xf32, #tpu.memory_space<hbm>>) target(%arg21 : memref<1024x256xf32, #tpu.memory_space<vmem_shared>>) target_semaphore(%run_scoped3A : memref<!tpu.dma_semaphore, #tpu.memory_space<semaphore_mem>>)
        tpu.wait_dma2 semaphore(%run_scoped3A : memref<!tpu.dma_semaphore, #tpu.memory_space<semaphore_mem>>) src(%arg7 : memref<1024x256xf32, #tpu.memory_space<hbm>>) dst(%arg21 : memref<1024x256xf32, #tpu.memory_space<vmem_shared>>)
        tpu.yield
      }) : () -> ()
      "tpu.region"() ({
        %run_scoped3A = tpu.sem_alloc : memref<!tpu.dma_semaphore, #tpu.memory_space<semaphore_mem>>
        tpu.enqueue_dma source(%arg8 : memref<1024x16xf32, #tpu.memory_space<hbm>>) target(%arg22 : memref<1024x16xf32, #tpu.memory_space<vmem_shared>>) target_semaphore(%run_scoped3A : memref<!tpu.dma_semaphore, #tpu.memory_space<semaphore_mem>>)
        tpu.wait_dma2 semaphore(%run_scoped3A : memref<!tpu.dma_semaphore, #tpu.memory_space<semaphore_mem>>) src(%arg8 : memref<1024x16xf32, #tpu.memory_space<hbm>>) dst(%arg22 : memref<1024x16xf32, #tpu.memory_space<vmem_shared>>)
        tpu.yield
      }) : () -> ()
    } else {
    }
    %barrier3A = arith.constant 0 : index
    tpu.barrier barrier_id(%barrier3A)
    %get3A = arith.constant 0 : index
    %get3A_323 = tpu.vector_load %arg20[%get3A] {strides = array<i32>} : memref<16xf32, #tpu.memory_space<vmem>>, vector<16xf32>,
    %slice3A = vector.extract_strided_slice %get3A_323 {offsets = [0], sizes = [1], strides = [1]} : vector<16xf32> to vector<1xf32>
    %squeeze3A = vector.extract %slice3A[0] : f32 from vector<1xf32>
    %slice3A_324 = vector.extract_strided_slice %get3A_323 {offsets = [1], sizes = [1], strides = [1]} : vector<16xf32> to vector<1xf32>
    %squeeze3A_325 = vector.extract %slice3A_324[0] : f32 from vector<1xf32>
    %iota3A = tpu.iota {dimensions = array<i32: 0>} : vector<16xi32>
    %lt3A = arith.constant 625 : i32
    %lt3A_326 = arith.cmpi slt, %add3A, %lt3A : i32
    %convert_element_type3A_327 = arith.extui %lt3A_326 : i1 to i32
    %cond3A_328 = arith.constant 0 : i32
    %cond3A_329 = arith.cmpi ne, %convert_element_type3A_327, %cond3A_328 : i32
    scf.if %cond3A_329 {
      %mul3A_341 = arith.constant 80 : i32
      %mul3A_342 = arith.muli %add3A, %mul3A_341 : i32
      %dma_start3A = arith.constant 0 : i32
      %dma_start3A_343 = tpu.memref_slice %arg2[%mul3A_342, %dma_start3A] : memref<50000x256xf32, #tpu.memory_space<hbm>> -> memref<80x256xf32, #tpu.memory_space<hbm>>
      %dma_start3A_344 = arith.constant 0 : i32
      %dma_start3A_345 = tpu.memref_slice %arg2[%mul3A_342, %dma_start3A_344] : memref<50000x256xf32, #tpu.memory_space<hbm>> -> memref<80x256xf32, #tpu.memory_space<hbm>>
      tpu.enqueue_dma source(%dma_start3A_345 : memref<80x256xf32, #tpu.memory_space<hbm>>) target(%arg11 : memref<80x256xf32, #tpu.memory_space<vmem>>) target_semaphore(%arg23 : memref<!tpu.dma_semaphore, #tpu.memory_space<semaphore_mem>>)
      %dma_start3A_346 = tpu.memref_slice %arg3[%mul3A_342] : memref<50000xf32, #tpu.memory_space<hbm>> -> memref<80xf32, #tpu.memory_space<hbm>>
      %dma_start3A_347 = tpu.memref_slice %arg3[%mul3A_342] : memref<50000xf32, #tpu.memory_space<hbm>> -> memref<80xf32, #tpu.memory_space<hbm>>
      tpu.enqueue_dma source(%dma_start3A_347 : memref<80xf32, #tpu.memory_space<hbm>>) target(%arg12 : memref<80xf32, #tpu.memory_space<vmem>>) target_semaphore(%arg23 : memref<!tpu.dma_semaphore, #tpu.memory_space<semaphore_mem>>)
      %dma_start3A_348 = tpu.memref_slice %arg4[%mul3A_342] : memref<50000xi32, #tpu.memory_space<hbm>> -> memref<80xi32, #tpu.memory_space<hbm>>
      %dma_start3A_349 = tpu.memref_slice %arg4[%mul3A_342] : memref<50000xi32, #tpu.memory_space<hbm>> -> memref<80xi32, #tpu.memory_space<hbm>>
      tpu.enqueue_dma source(%dma_start3A_349 : memref<80xi32, #tpu.memory_space<hbm>>) target(%arg13 : memref<80xi32, #tpu.memory_space<vmem>>) target_semaphore(%arg23 : memref<!tpu.dma_semaphore, #tpu.memory_space<semaphore_mem>>)
    } else {
    }
    %scan3A = arith.constant 0 : i32
    %scan3A_330 = arith.constant 0 : i32
    %scan3A_331 = arith.constant 10 : i32
    %scan3A_332 = arith.addi %scan3A_330, %scan3A_331 : i32
    %scan3A_333 = arith.constant 1 : i32
    scf.for %scan3A_341 = %scan3A_330 to %scan3A_332 step %scan3A_333  : i32 {
      %mul3A_342 = arith.constant 2 : i32
      %mul3A_343 = arith.muli %scan3A_341, %mul3A_342 : i32
      %mul3A_344 = arith.constant 32 : i32
      %mul3A_345 = arith.muli %mul3A_343, %mul3A_344 : i32
      %add3A_346 = arith.addi %mul3A_345, %add3A : i32
      %add3A_347 = arith.constant 1 : i32
      %add3A_348 = arith.addi %mul3A_343, %add3A_347 : i32
      %mul3A_349 = arith.constant 32 : i32
      %mul3A_350 = arith.muli %add3A_348, %mul3A_349 : i32
      %add3A_351 = arith.addi %mul3A_350, %add3A : i32
      %add3A_352 = arith.constant 2 : i32
      %add3A_353 = arith.addi %mul3A_343, %add3A_352 : i32
      %mul3A_354 = arith.constant 32 : i32
      %mul3A_355 = arith.muli %add3A_353, %mul3A_354 : i32
      %add3A_356 = arith.addi %mul3A_355, %add3A : i32
      %lt3A_357 = arith.constant 625 : i32
      %lt3A_358 = arith.cmpi slt, %add3A_351, %lt3A_357 : i32
      %convert_element_type3A_359 = arith.extui %lt3A_358 : i1 to i32
      %cond3A_360 = arith.constant 0 : i32
      %cond3A_361 = arith.cmpi ne, %convert_element_type3A_359, %cond3A_360 : i32
      scf.if %cond3A_361 {
        %mul3A_377 = arith.constant 80 : i32
        %mul3A_378 = arith.muli %add3A_351, %mul3A_377 : i32
        %dma_start3A = arith.constant 0 : i32
        %dma_start3A_379 = tpu.memref_slice %arg2[%mul3A_378, %dma_start3A] : memref<50000x256xf32, #tpu.memory_space<hbm>> -> memref<80x256xf32, #tpu.memory_space<hbm>>
        %dma_start3A_380 = arith.constant 0 : i32
        %dma_start3A_381 = tpu.memref_slice %arg2[%mul3A_378, %dma_start3A_380] : memref<50000x256xf32, #tpu.memory_space<hbm>> -> memref<80x256xf32, #tpu.memory_space<hbm>>
        tpu.enqueue_dma source(%dma_start3A_381 : memref<80x256xf32, #tpu.memory_space<hbm>>) target(%arg14 : memref<80x256xf32, #tpu.memory_space<vmem>>) target_semaphore(%arg24 : memref<!tpu.dma_semaphore, #tpu.memory_space<semaphore_mem>>)
        %dma_start3A_382 = tpu.memref_slice %arg3[%mul3A_378] : memref<50000xf32, #tpu.memory_space<hbm>> -> memref<80xf32, #tpu.memory_space<hbm>>
        %dma_start3A_383 = tpu.memref_slice %arg3[%mul3A_378] : memref<50000xf32, #tpu.memory_space<hbm>> -> memref<80xf32, #tpu.memory_space<hbm>>
        tpu.enqueue_dma source(%dma_start3A_383 : memref<80xf32, #tpu.memory_space<hbm>>) target(%arg15 : memref<80xf32, #tpu.memory_space<vmem>>) target_semaphore(%arg24 : memref<!tpu.dma_semaphore, #tpu.memory_space<semaphore_mem>>)
        %dma_start3A_384 = tpu.memref_slice %arg4[%mul3A_378] : memref<50000xi32, #tpu.memory_space<hbm>> -> memref<80xi32, #tpu.memory_space<hbm>>
        %dma_start3A_385 = tpu.memref_slice %arg4[%mul3A_378] : memref<50000xi32, #tpu.memory_space<hbm>> -> memref<80xi32, #tpu.memory_space<hbm>>
        tpu.enqueue_dma source(%dma_start3A_385 : memref<80xi32, #tpu.memory_space<hbm>>) target(%arg16 : memref<80xi32, #tpu.memory_space<vmem>>) target_semaphore(%arg24 : memref<!tpu.dma_semaphore, #tpu.memory_space<semaphore_mem>>)
      } else {
      }
      %lt3A_362 = arith.constant 625 : i32
      %lt3A_363 = arith.cmpi slt, %add3A_346, %lt3A_362 : i32
      %convert_element_type3A_364 = arith.extui %lt3A_363 : i1 to i32
      %cond3A_365 = arith.constant 0 : i32
      %cond3A_366 = arith.cmpi ne, %convert_element_type3A_364, %cond3A_365 : i32
      scf.if %cond3A_366 {
        %mul3A_377 = arith.constant 80 : i32
        %mul3A_378 = arith.muli %add3A_346, %mul3A_377 : i32
        %dma_wait3A = arith.constant 0 : i32
        %dma_wait3A_379 = tpu.memref_slice %arg2[%mul3A_378, %dma_wait3A] : memref<50000x256xf32, #tpu.memory_space<hbm>> -> memref<80x256xf32, #tpu.memory_space<hbm>>
        %dma_wait3A_380 = arith.constant 0 : i32
        %dma_wait3A_381 = tpu.memref_slice %arg2[%mul3A_378, %dma_wait3A_380] : memref<50000x256xf32, #tpu.memory_space<hbm>> -> memref<80x256xf32, #tpu.memory_space<hbm>>
        tpu.wait_dma2 semaphore(%arg23 : memref<!tpu.dma_semaphore, #tpu.memory_space<semaphore_mem>>) src(%dma_wait3A_381 : memref<80x256xf32, #tpu.memory_space<hbm>>) dst(%arg11 : memref<80x256xf32, #tpu.memory_space<vmem>>)
        %dma_wait3A_382 = tpu.memref_slice %arg3[%mul3A_378] : memref<50000xf32, #tpu.memory_space<hbm>> -> memref<80xf32, #tpu.memory_space<hbm>>
        %dma_wait3A_383 = tpu.memref_slice %arg3[%mul3A_378] : memref<50000xf32, #tpu.memory_space<hbm>> -> memref<80xf32, #tpu.memory_space<hbm>>
        tpu.wait_dma2 semaphore(%arg23 : memref<!tpu.dma_semaphore, #tpu.memory_space<semaphore_mem>>) src(%dma_wait3A_383 : memref<80xf32, #tpu.memory_space<hbm>>) dst(%arg12 : memref<80xf32, #tpu.memory_space<vmem>>)
        %dma_wait3A_384 = tpu.memref_slice %arg4[%mul3A_378] : memref<50000xi32, #tpu.memory_space<hbm>> -> memref<80xi32, #tpu.memory_space<hbm>>
        %dma_wait3A_385 = tpu.memref_slice %arg4[%mul3A_378] : memref<50000xi32, #tpu.memory_space<hbm>> -> memref<80xi32, #tpu.memory_space<hbm>>
        tpu.wait_dma2 semaphore(%arg23 : memref<!tpu.dma_semaphore, #tpu.memory_space<semaphore_mem>>) src(%dma_wait3A_385 : memref<80xi32, #tpu.memory_space<hbm>>) dst(%arg13 : memref<80xi32, #tpu.memory_space<vmem>>)
        %get3A_386 = arith.constant 0 : index
        %get3A_387 = tpu.vector_load %arg13[%get3A_386] {strides = array<i32>} : memref<80xi32, #tpu.memory_space<vmem>>, vector<16xi32>,
        %get3A_388 = arith.constant 0 : index
        %get3A_389 = tpu.vector_load %arg12[%get3A_388] {strides = array<i32>} : memref<80xf32, #tpu.memory_space<vmem>>, vector<16xf32>,
        %gather3A = tpu.vector_load_idx %arg19[%get3A_387] : memref<1024xf32, #tpu.memory_space<vmem>>[vector<16xi32>], vector<16xf32>,
        %add3A_390 = arith.addf %get3A_389, %gather3A : vector<16xf32>
        %add3A_391 = vector.broadcast %squeeze3A : f32 to vector<16xf32>
        %add3A_392 = arith.addf %add3A_390, %add3A_391 : vector<16xf32>
        %gt3A = arith.constant 0.000000e+00 : f32
        %gt3A_393 = vector.broadcast %gt3A : f32 to vector<16xf32>
        %gt3A_394 = arith.cmpf ogt, %add3A_392, %gt3A_393 : vector<16xf32>
        %mul3A_395 = arith.constant 0.00999999977 : f32
        %mul3A_396 = vector.broadcast %mul3A_395 : f32 to vector<16xf32>
        %mul3A_397 = arith.mulf %add3A_392, %mul3A_396 : vector<16xf32>
        %select_n3A = arith.select %gt3A_394, %add3A_392, %mul3A_397 : vector<16xi1>, vector<16xf32>
        %sub3A = vector.broadcast %squeeze3A_325 : f32 to vector<16xf32>
        %sub3A_398 = arith.subf %select_n3A, %sub3A : vector<16xf32>
        %exp3A = math.exp %sub3A_398 : vector<16xf32>
        %swap3A_399 = arith.constant 0 : index
        %swap3A_400 = tpu.vector_load %arg17[%swap3A_399] {strides = array<i32>} : memref<80xf32, #tpu.memory_space<vmem>>, vector<16xf32>,
        tpu.vector_store %arg17[%swap3A_399], %exp3A {strides = array<i32>} : memref<80xf32, #tpu.memory_space<vmem>>, vector<16xf32>,
        %add3A_401 = arith.constant 0 : i32
        %add3A_402 = vector.broadcast %add3A_401 : i32 to vector<16xi32>
        %add3A_403 = arith.addi %add3A_402, %iota3A : vector<16xi32>
        %broadcast_in_dim3A_404 = arith.constant 0 : i32
        %broadcast_in_dim3A_405 = vector.broadcast %broadcast_in_dim3A_404 : i32 to vector<16xi32>
        tpu.vector_store_idx %arg18[%add3A_403, %broadcast_in_dim3A_405], %exp3A : memref<80x16xf32, #tpu.memory_space<vmem>>[vector<16xi32>, vector<16xi32>], vector<16xf32>,
        %get3A_406 = arith.constant 16 : index
        %get3A_407 = tpu.vector_load %arg13[%get3A_406] {strides = array<i32>} : memref<80xi32, #tpu.memory_space<vmem>>, vector<16xi32>,
        %get3A_408 = arith.constant 16 : index
        %get3A_409 = tpu.vector_load %arg12[%get3A_408] {strides = array<i32>} : memref<80xf32, #tpu.memory_space<vmem>>, vector<16xf32>,
        %gather3A_410 = tpu.vector_load_idx %arg19[%get3A_407] : memref<1024xf32, #tpu.memory_space<vmem>>[vector<16xi32>], vector<16xf32>,
        %add3A_411 = arith.addf %get3A_409, %gather3A_410 : vector<16xf32>
        %add3A_412 = vector.broadcast %squeeze3A : f32 to vector<16xf32>
        %add3A_413 = arith.addf %add3A_411, %add3A_412 : vector<16xf32>
        %gt3A_414 = arith.constant 0.000000e+00 : f32
        %gt3A_415 = vector.broadcast %gt3A_414 : f32 to vector<16xf32>
        %gt3A_416 = arith.cmpf ogt, %add3A_413, %gt3A_415 : vector<16xf32>
        %mul3A_417 = arith.constant 0.00999999977 : f32
        %mul3A_418 = vector.broadcast %mul3A_417 : f32 to vector<16xf32>
        %mul3A_419 = arith.mulf %add3A_413, %mul3A_418 : vector<16xf32>
        %select_n3A_420 = arith.select %gt3A_416, %add3A_413, %mul3A_419 : vector<16xi1>, vector<16xf32>
        %sub3A_421 = vector.broadcast %squeeze3A_325 : f32 to vector<16xf32>
        %sub3A_422 = arith.subf %select_n3A_420, %sub3A_421 : vector<16xf32>
        %exp3A_423 = math.exp %sub3A_422 : vector<16xf32>
        %swap3A_424 = arith.constant 16 : index
        %swap3A_425 = tpu.vector_load %arg17[%swap3A_424] {strides = array<i32>} : memref<80xf32, #tpu.memory_space<vmem>>, vector<16xf32>,
        tpu.vector_store %arg17[%swap3A_424], %exp3A_423 {strides = array<i32>} : memref<80xf32, #tpu.memory_space<vmem>>, vector<16xf32>,
        %add3A_426 = arith.constant 16 : i32
        %add3A_427 = vector.broadcast %add3A_426 : i32 to vector<16xi32>
        %add3A_428 = arith.addi %add3A_427, %iota3A : vector<16xi32>
        %broadcast_in_dim3A_429 = arith.constant 0 : i32
        %broadcast_in_dim3A_430 = vector.broadcast %broadcast_in_dim3A_429 : i32 to vector<16xi32>
        tpu.vector_store_idx %arg18[%add3A_428, %broadcast_in_dim3A_430], %exp3A_423 : memref<80x16xf32, #tpu.memory_space<vmem>>[vector<16xi32>, vector<16xi32>], vector<16xf32>,
        %get3A_431 = arith.constant 32 : index
        %get3A_432 = tpu.vector_load %arg13[%get3A_431] {strides = array<i32>} : memref<80xi32, #tpu.memory_space<vmem>>, vector<16xi32>,
        %get3A_433 = arith.constant 32 : index
        %get3A_434 = tpu.vector_load %arg12[%get3A_433] {strides = array<i32>} : memref<80xf32, #tpu.memory_space<vmem>>, vector<16xf32>,
        %gather3A_435 = tpu.vector_load_idx %arg19[%get3A_432] : memref<1024xf32, #tpu.memory_space<vmem>>[vector<16xi32>], vector<16xf32>,
        %add3A_436 = arith.addf %get3A_434, %gather3A_435 : vector<16xf32>
        %add3A_437 = vector.broadcast %squeeze3A : f32 to vector<16xf32>
        %add3A_438 = arith.addf %add3A_436, %add3A_437 : vector<16xf32>
        %gt3A_439 = arith.constant 0.000000e+00 : f32
        %gt3A_440 = vector.broadcast %gt3A_439 : f32 to vector<16xf32>
        %gt3A_441 = arith.cmpf ogt, %add3A_438, %gt3A_440 : vector<16xf32>
        %mul3A_442 = arith.constant 0.00999999977 : f32
        %mul3A_443 = vector.broadcast %mul3A_442 : f32 to vector<16xf32>
        %mul3A_444 = arith.mulf %add3A_438, %mul3A_443 : vector<16xf32>
        %select_n3A_445 = arith.select %gt3A_441, %add3A_438, %mul3A_444 : vector<16xi1>, vector<16xf32>
        %sub3A_446 = vector.broadcast %squeeze3A_325 : f32 to vector<16xf32>
        %sub3A_447 = arith.subf %select_n3A_445, %sub3A_446 : vector<16xf32>
        %exp3A_448 = math.exp %sub3A_447 : vector<16xf32>
        %swap3A_449 = arith.constant 32 : index
        %swap3A_450 = tpu.vector_load %arg17[%swap3A_449] {strides = array<i32>} : memref<80xf32, #tpu.memory_space<vmem>>, vector<16xf32>,
        tpu.vector_store %arg17[%swap3A_449], %exp3A_448 {strides = array<i32>} : memref<80xf32, #tpu.memory_space<vmem>>, vector<16xf32>,
        %add3A_451 = arith.constant 32 : i32
        %add3A_452 = vector.broadcast %add3A_451 : i32 to vector<16xi32>
        %add3A_453 = arith.addi %add3A_452, %iota3A : vector<16xi32>
        %broadcast_in_dim3A_454 = arith.constant 0 : i32
        %broadcast_in_dim3A_455 = vector.broadcast %broadcast_in_dim3A_454 : i32 to vector<16xi32>
        tpu.vector_store_idx %arg18[%add3A_453, %broadcast_in_dim3A_455], %exp3A_448 : memref<80x16xf32, #tpu.memory_space<vmem>>[vector<16xi32>, vector<16xi32>], vector<16xf32>,
        %get3A_456 = arith.constant 48 : index
        %get3A_457 = tpu.vector_load %arg13[%get3A_456] {strides = array<i32>} : memref<80xi32, #tpu.memory_space<vmem>>, vector<16xi32>,
        %get3A_458 = arith.constant 48 : index
        %get3A_459 = tpu.vector_load %arg12[%get3A_458] {strides = array<i32>} : memref<80xf32, #tpu.memory_space<vmem>>, vector<16xf32>,
        %gather3A_460 = tpu.vector_load_idx %arg19[%get3A_457] : memref<1024xf32, #tpu.memory_space<vmem>>[vector<16xi32>], vector<16xf32>,
        %add3A_461 = arith.addf %get3A_459, %gather3A_460 : vector<16xf32>
        %add3A_462 = vector.broadcast %squeeze3A : f32 to vector<16xf32>
        %add3A_463 = arith.addf %add3A_461, %add3A_462 : vector<16xf32>
        %gt3A_464 = arith.constant 0.000000e+00 : f32
        %gt3A_465 = vector.broadcast %gt3A_464 : f32 to vector<16xf32>
        %gt3A_466 = arith.cmpf ogt, %add3A_463, %gt3A_465 : vector<16xf32>
        %mul3A_467 = arith.constant 0.00999999977 : f32
        %mul3A_468 = vector.broadcast %mul3A_467 : f32 to vector<16xf32>
        %mul3A_469 = arith.mulf %add3A_463, %mul3A_468 : vector<16xf32>
        %select_n3A_470 = arith.select %gt3A_466, %add3A_463, %mul3A_469 : vector<16xi1>, vector<16xf32>
        %sub3A_471 = vector.broadcast %squeeze3A_325 : f32 to vector<16xf32>
        %sub3A_472 = arith.subf %select_n3A_470, %sub3A_471 : vector<16xf32>
        %exp3A_473 = math.exp %sub3A_472 : vector<16xf32>
        %swap3A_474 = arith.constant 48 : index
        %swap3A_475 = tpu.vector_load %arg17[%swap3A_474] {strides = array<i32>} : memref<80xf32, #tpu.memory_space<vmem>>, vector<16xf32>,
        tpu.vector_store %arg17[%swap3A_474], %exp3A_473 {strides = array<i32>} : memref<80xf32, #tpu.memory_space<vmem>>, vector<16xf32>,
        %add3A_476 = arith.constant 48 : i32
        %add3A_477 = vector.broadcast %add3A_476 : i32 to vector<16xi32>
        %add3A_478 = arith.addi %add3A_477, %iota3A : vector<16xi32>
        %broadcast_in_dim3A_479 = arith.constant 0 : i32
        %broadcast_in_dim3A_480 = vector.broadcast %broadcast_in_dim3A_479 : i32 to vector<16xi32>
        tpu.vector_store_idx %arg18[%add3A_478, %broadcast_in_dim3A_480], %exp3A_473 : memref<80x16xf32, #tpu.memory_space<vmem>>[vector<16xi32>, vector<16xi32>], vector<16xf32>,
        %get3A_481 = arith.constant 64 : index
        %get3A_482 = tpu.vector_load %arg13[%get3A_481] {strides = array<i32>} : memref<80xi32, #tpu.memory_space<vmem>>, vector<16xi32>,
        %get3A_483 = arith.constant 64 : index
        %get3A_484 = tpu.vector_load %arg12[%get3A_483] {strides = array<i32>} : memref<80xf32, #tpu.memory_space<vmem>>, vector<16xf32>,
        %gather3A_485 = tpu.vector_load_idx %arg19[%get3A_482] : memref<1024xf32, #tpu.memory_space<vmem>>[vector<16xi32>], vector<16xf32>,
        %add3A_486 = arith.addf %get3A_484, %gather3A_485 : vector<16xf32>
        %add3A_487 = vector.broadcast %squeeze3A : f32 to vector<16xf32>
        %add3A_488 = arith.addf %add3A_486, %add3A_487 : vector<16xf32>
        %gt3A_489 = arith.constant 0.000000e+00 : f32
        %gt3A_490 = vector.broadcast %gt3A_489 : f32 to vector<16xf32>
        %gt3A_491 = arith.cmpf ogt, %add3A_488, %gt3A_490 : vector<16xf32>
        %mul3A_492 = arith.constant 0.00999999977 : f32
        %mul3A_493 = vector.broadcast %mul3A_492 : f32 to vector<16xf32>
        %mul3A_494 = arith.mulf %add3A_488, %mul3A_493 : vector<16xf32>
        %select_n3A_495 = arith.select %gt3A_491, %add3A_488, %mul3A_494 : vector<16xi1>, vector<16xf32>
        %sub3A_496 = vector.broadcast %squeeze3A_325 : f32 to vector<16xf32>
        %sub3A_497 = arith.subf %select_n3A_495, %sub3A_496 : vector<16xf32>
        %exp3A_498 = math.exp %sub3A_497 : vector<16xf32>
        %swap3A_499 = arith.constant 64 : index
        %swap3A_500 = tpu.vector_load %arg17[%swap3A_499] {strides = array<i32>} : memref<80xf32, #tpu.memory_space<vmem>>, vector<16xf32>,
        tpu.vector_store %arg17[%swap3A_499], %exp3A_498 {strides = array<i32>} : memref<80xf32, #tpu.memory_space<vmem>>, vector<16xf32>,
        %add3A_501 = arith.constant 64 : i32
        %add3A_502 = vector.broadcast %add3A_501 : i32 to vector<16xi32>
        %add3A_503 = arith.addi %add3A_502, %iota3A : vector<16xi32>
        %broadcast_in_dim3A_504 = arith.constant 0 : i32
        %broadcast_in_dim3A_505 = vector.broadcast %broadcast_in_dim3A_504 : i32 to vector<16xi32>
        tpu.vector_store_idx %arg18[%add3A_503, %broadcast_in_dim3A_505], %exp3A_498 : memref<80x16xf32, #tpu.memory_space<vmem>>[vector<16xi32>, vector<16xi32>], vector<16xf32>,
        %scan3A_506 = arith.constant 0 : i32
        %scan3A_507 = arith.constant 0 : i32
        %scan3A_508 = arith.constant 80 : i32
        %scan3A_509 = arith.addi %scan3A_507, %scan3A_508 : i32
        %scan3A_510 = arith.constant 1 : i32
        scf.for %scan3A_512 = %scan3A_507 to %scan3A_509 step %scan3A_510  : i32 {
          %broadcast_in_dim3A_513 = vector.broadcast %scan3A_512 : i32 to vector<16xi32>
          %gather3A_514 = tpu.vector_load_idx %arg17[%broadcast_in_dim3A_513] : memref<80xf32, #tpu.memory_space<vmem>>[vector<16xi32>], vector<16xf32>,
          %get3A_515 = arith.index_cast %scan3A_512 : i32 to index
          %get3A_516 = arith.constant 0 : index
          %get3A_517 = tpu.vector_load %arg11[%get3A_515, %get3A_516] {strides = array<i32>} : memref<80x256xf32, #tpu.memory_space<vmem>>, vector<16xf32>,
          %mul3A_518 = arith.mulf %get3A_517, %gather3A_514 : vector<16xf32>
          %swap3A_519 = arith.index_cast %scan3A_512 : i32 to index
          %swap3A_520 = arith.constant 0 : index
          %swap3A_521 = tpu.vector_load %arg11[%swap3A_519, %swap3A_520] {strides = array<i32>} : memref<80x256xf32, #tpu.memory_space<vmem>>, vector<16xf32>,
          tpu.vector_store %arg11[%swap3A_519, %swap3A_520], %mul3A_518 {strides = array<i32>} : memref<80x256xf32, #tpu.memory_space<vmem>>, vector<16xf32>,
          %get3A_522 = arith.index_cast %scan3A_512 : i32 to index
          %get3A_523 = arith.constant 16 : index
          %get3A_524 = tpu.vector_load %arg11[%get3A_522, %get3A_523] {strides = array<i32>} : memref<80x256xf32, #tpu.memory_space<vmem>>, vector<16xf32>,
          %mul3A_525 = arith.mulf %get3A_524, %gather3A_514 : vector<16xf32>
          %swap3A_526 = arith.index_cast %scan3A_512 : i32 to index
          %swap3A_527 = arith.constant 16 : index
          %swap3A_528 = tpu.vector_load %arg11[%swap3A_526, %swap3A_527] {strides = array<i32>} : memref<80x256xf32, #tpu.memory_space<vmem>>, vector<16xf32>,
          tpu.vector_store %arg11[%swap3A_526, %swap3A_527], %mul3A_525 {strides = array<i32>} : memref<80x256xf32, #tpu.memory_space<vmem>>, vector<16xf32>,
          %get3A_529 = arith.index_cast %scan3A_512 : i32 to index
          %get3A_530 = arith.constant 32 : index
          %get3A_531 = tpu.vector_load %arg11[%get3A_529, %get3A_530] {strides = array<i32>} : memref<80x256xf32, #tpu.memory_space<vmem>>, vector<16xf32>,
          %mul3A_532 = arith.mulf %get3A_531, %gather3A_514 : vector<16xf32>
          %swap3A_533 = arith.index_cast %scan3A_512 : i32 to index
          %swap3A_534 = arith.constant 32 : index
          %swap3A_535 = tpu.vector_load %arg11[%swap3A_533, %swap3A_534] {strides = array<i32>} : memref<80x256xf32, #tpu.memory_space<vmem>>, vector<16xf32>,
          tpu.vector_store %arg11[%swap3A_533, %swap3A_534], %mul3A_532 {strides = array<i32>} : memref<80x256xf32, #tpu.memory_space<vmem>>, vector<16xf32>,
          %get3A_536 = arith.index_cast %scan3A_512 : i32 to index
          %get3A_537 = arith.constant 48 : index
          %get3A_538 = tpu.vector_load %arg11[%get3A_536, %get3A_537] {strides = array<i32>} : memref<80x256xf32, #tpu.memory_space<vmem>>, vector<16xf32>,
          %mul3A_539 = arith.mulf %get3A_538, %gather3A_514 : vector<16xf32>
          %swap3A_540 = arith.index_cast %scan3A_512 : i32 to index
          %swap3A_541 = arith.constant 48 : index
          %swap3A_542 = tpu.vector_load %arg11[%swap3A_540, %swap3A_541] {strides = array<i32>} : memref<80x256xf32, #tpu.memory_space<vmem>>, vector<16xf32>,
          tpu.vector_store %arg11[%swap3A_540, %swap3A_541], %mul3A_539 {strides = array<i32>} : memref<80x256xf32, #tpu.memory_space<vmem>>, vector<16xf32>,
          %get3A_543 = arith.index_cast %scan3A_512 : i32 to index
          %get3A_544 = arith.constant 64 : index
          %get3A_545 = tpu.vector_load %arg11[%get3A_543, %get3A_544] {strides = array<i32>} : memref<80x256xf32, #tpu.memory_space<vmem>>, vector<16xf32>,
          %mul3A_546 = arith.mulf %get3A_545, %gather3A_514 : vector<16xf32>
          %swap3A_547 = arith.index_cast %scan3A_512 : i32 to index
          %swap3A_548 = arith.constant 64 : index
          %swap3A_549 = tpu.vector_load %arg11[%swap3A_547, %swap3A_548] {strides = array<i32>} : memref<80x256xf32, #tpu.memory_space<vmem>>, vector<16xf32>,
          tpu.vector_store %arg11[%swap3A_547, %swap3A_548], %mul3A_546 {strides = array<i32>} : memref<80x256xf32, #tpu.memory_space<vmem>>, vector<16xf32>,
          %get3A_550 = arith.index_cast %scan3A_512 : i32 to index
          %get3A_551 = arith.constant 80 : index
          %get3A_552 = tpu.vector_load %arg11[%get3A_550, %get3A_551] {strides = array<i32>} : memref<80x256xf32, #tpu.memory_space<vmem>>, vector<16xf32>,
          %mul3A_553 = arith.mulf %get3A_552, %gather3A_514 : vector<16xf32>
          %swap3A_554 = arith.index_cast %scan3A_512 : i32 to index
          %swap3A_555 = arith.constant 80 : index
          %swap3A_556 = tpu.vector_load %arg11[%swap3A_554, %swap3A_555] {strides = array<i32>} : memref<80x256xf32, #tpu.memory_space<vmem>>, vector<16xf32>,
          tpu.vector_store %arg11[%swap3A_554, %swap3A_555], %mul3A_553 {strides = array<i32>} : memref<80x256xf32, #tpu.memory_space<vmem>>, vector<16xf32>,
          %get3A_557 = arith.index_cast %scan3A_512 : i32 to index
          %get3A_558 = arith.constant 96 : index
          %get3A_559 = tpu.vector_load %arg11[%get3A_557, %get3A_558] {strides = array<i32>} : memref<80x256xf32, #tpu.memory_space<vmem>>, vector<16xf32>,
          %mul3A_560 = arith.mulf %get3A_559, %gather3A_514 : vector<16xf32>
          %swap3A_561 = arith.index_cast %scan3A_512 : i32 to index
          %swap3A_562 = arith.constant 96 : index
          %swap3A_563 = tpu.vector_load %arg11[%swap3A_561, %swap3A_562] {strides = array<i32>} : memref<80x256xf32, #tpu.memory_space<vmem>>, vector<16xf32>,
          tpu.vector_store %arg11[%swap3A_561, %swap3A_562], %mul3A_560 {strides = array<i32>} : memref<80x256xf32, #tpu.memory_space<vmem>>, vector<16xf32>,
          %get3A_564 = arith.index_cast %scan3A_512 : i32 to index
          %get3A_565 = arith.constant 112 : index
          %get3A_566 = tpu.vector_load %arg11[%get3A_564, %get3A_565] {strides = array<i32>} : memref<80x256xf32, #tpu.memory_space<vmem>>, vector<16xf32>,
          %mul3A_567 = arith.mulf %get3A_566, %gather3A_514 : vector<16xf32>
          %swap3A_568 = arith.index_cast %scan3A_512 : i32 to index
          %swap3A_569 = arith.constant 112 : index
          %swap3A_570 = tpu.vector_load %arg11[%swap3A_568, %swap3A_569] {strides = array<i32>} : memref<80x256xf32, #tpu.memory_space<vmem>>, vector<16xf32>,
          tpu.vector_store %arg11[%swap3A_568, %swap3A_569], %mul3A_567 {strides = array<i32>} : memref<80x256xf32, #tpu.memory_space<vmem>>, vector<16xf32>,
          %get3A_571 = arith.index_cast %scan3A_512 : i32 to index
          %get3A_572 = arith.constant 128 : index
          %get3A_573 = tpu.vector_load %arg11[%get3A_571, %get3A_572] {strides = array<i32>} : memref<80x256xf32, #tpu.memory_space<vmem>>, vector<16xf32>,
          %mul3A_574 = arith.mulf %get3A_573, %gather3A_514 : vector<16xf32>
          %swap3A_575 = arith.index_cast %scan3A_512 : i32 to index
          %swap3A_576 = arith.constant 128 : index
          %swap3A_577 = tpu.vector_load %arg11[%swap3A_575, %swap3A_576] {strides = array<i32>} : memref<80x256xf32, #tpu.memory_space<vmem>>, vector<16xf32>,
          tpu.vector_store %arg11[%swap3A_575, %swap3A_576], %mul3A_574 {strides = array<i32>} : memref<80x256xf32, #tpu.memory_space<vmem>>, vector<16xf32>,
          %get3A_578 = arith.index_cast %scan3A_512 : i32 to index
          %get3A_579 = arith.constant 144 : index
          %get3A_580 = tpu.vector_load %arg11[%get3A_578, %get3A_579] {strides = array<i32>} : memref<80x256xf32, #tpu.memory_space<vmem>>, vector<16xf32>,
          %mul3A_581 = arith.mulf %get3A_580, %gather3A_514 : vector<16xf32>
          %swap3A_582 = arith.index_cast %scan3A_512 : i32 to index
          %swap3A_583 = arith.constant 144 : index
          %swap3A_584 = tpu.vector_load %arg11[%swap3A_582, %swap3A_583] {strides = array<i32>} : memref<80x256xf32, #tpu.memory_space<vmem>>, vector<16xf32>,
          tpu.vector_store %arg11[%swap3A_582, %swap3A_583], %mul3A_581 {strides = array<i32>} : memref<80x256xf32, #tpu.memory_space<vmem>>, vector<16xf32>,
          %get3A_585 = arith.index_cast %scan3A_512 : i32 to index
          %get3A_586 = arith.constant 160 : index
          %get3A_587 = tpu.vector_load %arg11[%get3A_585, %get3A_586] {strides = array<i32>} : memref<80x256xf32, #tpu.memory_space<vmem>>, vector<16xf32>,
          %mul3A_588 = arith.mulf %get3A_587, %gather3A_514 : vector<16xf32>
          %swap3A_589 = arith.index_cast %scan3A_512 : i32 to index
          %swap3A_590 = arith.constant 160 : index
          %swap3A_591 = tpu.vector_load %arg11[%swap3A_589, %swap3A_590] {strides = array<i32>} : memref<80x256xf32, #tpu.memory_space<vmem>>, vector<16xf32>,
          tpu.vector_store %arg11[%swap3A_589, %swap3A_590], %mul3A_588 {strides = array<i32>} : memref<80x256xf32, #tpu.memory_space<vmem>>, vector<16xf32>,
          %get3A_592 = arith.index_cast %scan3A_512 : i32 to index
          %get3A_593 = arith.constant 176 : index
          %get3A_594 = tpu.vector_load %arg11[%get3A_592, %get3A_593] {strides = array<i32>} : memref<80x256xf32, #tpu.memory_space<vmem>>, vector<16xf32>,
          %mul3A_595 = arith.mulf %get3A_594, %gather3A_514 : vector<16xf32>
          %swap3A_596 = arith.index_cast %scan3A_512 : i32 to index
          %swap3A_597 = arith.constant 176 : index
          %swap3A_598 = tpu.vector_load %arg11[%swap3A_596, %swap3A_597] {strides = array<i32>} : memref<80x256xf32, #tpu.memory_space<vmem>>, vector<16xf32>,
          tpu.vector_store %arg11[%swap3A_596, %swap3A_597], %mul3A_595 {strides = array<i32>} : memref<80x256xf32, #tpu.memory_space<vmem>>, vector<16xf32>,
          %get3A_599 = arith.index_cast %scan3A_512 : i32 to index
          %get3A_600 = arith.constant 192 : index
          %get3A_601 = tpu.vector_load %arg11[%get3A_599, %get3A_600] {strides = array<i32>} : memref<80x256xf32, #tpu.memory_space<vmem>>, vector<16xf32>,
          %mul3A_602 = arith.mulf %get3A_601, %gather3A_514 : vector<16xf32>
          %swap3A_603 = arith.index_cast %scan3A_512 : i32 to index
          %swap3A_604 = arith.constant 192 : index
          %swap3A_605 = tpu.vector_load %arg11[%swap3A_603, %swap3A_604] {strides = array<i32>} : memref<80x256xf32, #tpu.memory_space<vmem>>, vector<16xf32>,
          tpu.vector_store %arg11[%swap3A_603, %swap3A_604], %mul3A_602 {strides = array<i32>} : memref<80x256xf32, #tpu.memory_space<vmem>>, vector<16xf32>,
          %get3A_606 = arith.index_cast %scan3A_512 : i32 to index
          %get3A_607 = arith.constant 208 : index
          %get3A_608 = tpu.vector_load %arg11[%get3A_606, %get3A_607] {strides = array<i32>} : memref<80x256xf32, #tpu.memory_space<vmem>>, vector<16xf32>,
          %mul3A_609 = arith.mulf %get3A_608, %gather3A_514 : vector<16xf32>
          %swap3A_610 = arith.index_cast %scan3A_512 : i32 to index
          %swap3A_611 = arith.constant 208 : index
          %swap3A_612 = tpu.vector_load %arg11[%swap3A_610, %swap3A_611] {strides = array<i32>} : memref<80x256xf32, #tpu.memory_space<vmem>>, vector<16xf32>,
          tpu.vector_store %arg11[%swap3A_610, %swap3A_611], %mul3A_609 {strides = array<i32>} : memref<80x256xf32, #tpu.memory_space<vmem>>, vector<16xf32>,
          %get3A_613 = arith.index_cast %scan3A_512 : i32 to index
          %get3A_614 = arith.constant 224 : index
          %get3A_615 = tpu.vector_load %arg11[%get3A_613, %get3A_614] {strides = array<i32>} : memref<80x256xf32, #tpu.memory_space<vmem>>, vector<16xf32>,
          %mul3A_616 = arith.mulf %get3A_615, %gather3A_514 : vector<16xf32>
          %swap3A_617 = arith.index_cast %scan3A_512 : i32 to index
          %swap3A_618 = arith.constant 224 : index
          %swap3A_619 = tpu.vector_load %arg11[%swap3A_617, %swap3A_618] {strides = array<i32>} : memref<80x256xf32, #tpu.memory_space<vmem>>, vector<16xf32>,
          tpu.vector_store %arg11[%swap3A_617, %swap3A_618], %mul3A_616 {strides = array<i32>} : memref<80x256xf32, #tpu.memory_space<vmem>>, vector<16xf32>,
          %get3A_620 = arith.index_cast %scan3A_512 : i32 to index
          %get3A_621 = arith.constant 240 : index
          %get3A_622 = tpu.vector_load %arg11[%get3A_620, %get3A_621] {strides = array<i32>} : memref<80x256xf32, #tpu.memory_space<vmem>>, vector<16xf32>,
          %mul3A_623 = arith.mulf %get3A_622, %gather3A_514 : vector<16xf32>
          %swap3A_624 = arith.index_cast %scan3A_512 : i32 to index
          %swap3A_625 = arith.constant 240 : index
          %swap3A_626 = tpu.vector_load %arg11[%swap3A_624, %swap3A_625] {strides = array<i32>} : memref<80x256xf32, #tpu.memory_space<vmem>>, vector<16xf32>,
          tpu.vector_store %arg11[%swap3A_624, %swap3A_625], %mul3A_623 {strides = array<i32>} : memref<80x256xf32, #tpu.memory_space<vmem>>, vector<16xf32>,
        }
        %scan3A_511 = arith.constant 80 : i32
        "tpu.region"() ({
          %run_scoped3A = tpu.sem_alloc : memref<!tpu.dma_semaphore, #tpu.memory_space<semaphore_mem>>
          %dma_start3A = arith.constant 0 : i32
          %dma_start3A_512 = arith.constant 0 : i32
          %dma_start3A_513 = tpu.memref_slice %arg21[%dma_start3A, %dma_start3A_512] : memref<1024x256xf32, #tpu.memory_space<vmem_shared>> -> memref<1024x256xf32, #tpu.memory_space<vmem_shared>>
          tpu.enqueue_indirect_dma source(%arg11 : memref<80x256xf32, #tpu.memory_space<vmem>>) target(%dma_start3A_513 : memref<1024x256xf32, #tpu.memory_space<vmem_shared>>) offsets(%arg13 : memref<80xi32, #tpu.memory_space<vmem>>) semaphore(%run_scoped3A : memref<!tpu.dma_semaphore, #tpu.memory_space<semaphore_mem>>) {add = true}
          %dma_wait3A_514 = arith.constant 0 : i32
          %dma_wait3A_515 = arith.constant 0 : i32
          %dma_wait3A_516 = tpu.memref_slice %arg21[%dma_wait3A_514, %dma_wait3A_515] : memref<1024x256xf32, #tpu.memory_space<vmem_shared>> -> memref<1024x256xf32, #tpu.memory_space<vmem_shared>>
          tpu.wait_indirect_dma semaphore(%run_scoped3A : memref<!tpu.dma_semaphore, #tpu.memory_space<semaphore_mem>>) src(%arg11 : memref<80x256xf32, #tpu.memory_space<vmem>>) dst(%dma_wait3A_516 : memref<1024x256xf32, #tpu.memory_space<vmem_shared>>)
          tpu.yield
        }) : () -> ()
        "tpu.region"() ({
          %run_scoped3A = tpu.sem_alloc : memref<!tpu.dma_semaphore, #tpu.memory_space<semaphore_mem>>
          %dma_start3A = arith.constant 0 : i32
          %dma_start3A_512 = arith.constant 0 : i32
          %dma_start3A_513 = tpu.memref_slice %arg22[%dma_start3A, %dma_start3A_512] : memref<1024x16xf32, #tpu.memory_space<vmem_shared>> -> memref<1024x16xf32, #tpu.memory_space<vmem_shared>>
          tpu.enqueue_indirect_dma source(%arg18 : memref<80x16xf32, #tpu.memory_space<vmem>>) target(%dma_start3A_513 : memref<1024x16xf32, #tpu.memory_space<vmem_shared>>) offsets(%arg13 : memref<80xi32, #tpu.memory_space<vmem>>) semaphore(%run_scoped3A : memref<!tpu.dma_semaphore, #tpu.memory_space<semaphore_mem>>) {add = true}
          %dma_wait3A_514 = arith.constant 0 : i32
          %dma_wait3A_515 = arith.constant 0 : i32
          %dma_wait3A_516 = tpu.memref_slice %arg22[%dma_wait3A_514, %dma_wait3A_515] : memref<1024x16xf32, #tpu.memory_space<vmem_shared>> -> memref<1024x16xf32, #tpu.memory_space<vmem_shared>>
          tpu.wait_indirect_dma semaphore(%run_scoped3A : memref<!tpu.dma_semaphore, #tpu.memory_space<semaphore_mem>>) src(%arg18 : memref<80x16xf32, #tpu.memory_space<vmem>>) dst(%dma_wait3A_516 : memref<1024x16xf32, #tpu.memory_space<vmem_shared>>)
          tpu.yield
        }) : () -> ()
      } else {
      }
      %lt3A_367 = arith.constant 625 : i32
      %lt3A_368 = arith.cmpi slt, %add3A_356, %lt3A_367 : i32
      %convert_element_type3A_369 = arith.extui %lt3A_368 : i1 to i32
      %cond3A_370 = arith.constant 0 : i32
      %cond3A_371 = arith.cmpi ne, %convert_element_type3A_369, %cond3A_370 : i32
      scf.if %cond3A_371 {
        %mul3A_377 = arith.constant 80 : i32
        %mul3A_378 = arith.muli %add3A_356, %mul3A_377 : i32
        %dma_start3A = arith.constant 0 : i32
        %dma_start3A_379 = tpu.memref_slice %arg2[%mul3A_378, %dma_start3A] : memref<50000x256xf32, #tpu.memory_space<hbm>> -> memref<80x256xf32, #tpu.memory_space<hbm>>
        %dma_start3A_380 = arith.constant 0 : i32
        %dma_start3A_381 = tpu.memref_slice %arg2[%mul3A_378, %dma_start3A_380] : memref<50000x256xf32, #tpu.memory_space<hbm>> -> memref<80x256xf32, #tpu.memory_space<hbm>>
        tpu.enqueue_dma source(%dma_start3A_381 : memref<80x256xf32, #tpu.memory_space<hbm>>) target(%arg11 : memref<80x256xf32, #tpu.memory_space<vmem>>) target_semaphore(%arg23 : memref<!tpu.dma_semaphore, #tpu.memory_space<semaphore_mem>>)
        %dma_start3A_382 = tpu.memref_slice %arg3[%mul3A_378] : memref<50000xf32, #tpu.memory_space<hbm>> -> memref<80xf32, #tpu.memory_space<hbm>>
        %dma_start3A_383 = tpu.memref_slice %arg3[%mul3A_378] : memref<50000xf32, #tpu.memory_space<hbm>> -> memref<80xf32, #tpu.memory_space<hbm>>
        tpu.enqueue_dma source(%dma_start3A_383 : memref<80xf32, #tpu.memory_space<hbm>>) target(%arg12 : memref<80xf32, #tpu.memory_space<vmem>>) target_semaphore(%arg23 : memref<!tpu.dma_semaphore, #tpu.memory_space<semaphore_mem>>)
        %dma_start3A_384 = tpu.memref_slice %arg4[%mul3A_378] : memref<50000xi32, #tpu.memory_space<hbm>> -> memref<80xi32, #tpu.memory_space<hbm>>
        %dma_start3A_385 = tpu.memref_slice %arg4[%mul3A_378] : memref<50000xi32, #tpu.memory_space<hbm>> -> memref<80xi32, #tpu.memory_space<hbm>>
        tpu.enqueue_dma source(%dma_start3A_385 : memref<80xi32, #tpu.memory_space<hbm>>) target(%arg13 : memref<80xi32, #tpu.memory_space<vmem>>) target_semaphore(%arg23 : memref<!tpu.dma_semaphore, #tpu.memory_space<semaphore_mem>>)
      } else {
      }
      %lt3A_372 = arith.constant 625 : i32
      %lt3A_373 = arith.cmpi slt, %add3A_351, %lt3A_372 : i32
      %convert_element_type3A_374 = arith.extui %lt3A_373 : i1 to i32
      %cond3A_375 = arith.constant 0 : i32
      %cond3A_376 = arith.cmpi ne, %convert_element_type3A_374, %cond3A_375 : i32
      scf.if %cond3A_376 {
        %mul3A_377 = arith.constant 80 : i32
        %mul3A_378 = arith.muli %add3A_351, %mul3A_377 : i32
        %dma_wait3A = arith.constant 0 : i32
        %dma_wait3A_379 = tpu.memref_slice %arg2[%mul3A_378, %dma_wait3A] : memref<50000x256xf32, #tpu.memory_space<hbm>> -> memref<80x256xf32, #tpu.memory_space<hbm>>
        %dma_wait3A_380 = arith.constant 0 : i32
        %dma_wait3A_381 = tpu.memref_slice %arg2[%mul3A_378, %dma_wait3A_380] : memref<50000x256xf32, #tpu.memory_space<hbm>> -> memref<80x256xf32, #tpu.memory_space<hbm>>
        tpu.wait_dma2 semaphore(%arg24 : memref<!tpu.dma_semaphore, #tpu.memory_space<semaphore_mem>>) src(%dma_wait3A_381 : memref<80x256xf32, #tpu.memory_space<hbm>>) dst(%arg14 : memref<80x256xf32, #tpu.memory_space<vmem>>)
        %dma_wait3A_382 = tpu.memref_slice %arg3[%mul3A_378] : memref<50000xf32, #tpu.memory_space<hbm>> -> memref<80xf32, #tpu.memory_space<hbm>>
        %dma_wait3A_383 = tpu.memref_slice %arg3[%mul3A_378] : memref<50000xf32, #tpu.memory_space<hbm>> -> memref<80xf32, #tpu.memory_space<hbm>>
        tpu.wait_dma2 semaphore(%arg24 : memref<!tpu.dma_semaphore, #tpu.memory_space<semaphore_mem>>) src(%dma_wait3A_383 : memref<80xf32, #tpu.memory_space<hbm>>) dst(%arg15 : memref<80xf32, #tpu.memory_space<vmem>>)
        %dma_wait3A_384 = tpu.memref_slice %arg4[%mul3A_378] : memref<50000xi32, #tpu.memory_space<hbm>> -> memref<80xi32, #tpu.memory_space<hbm>>
        %dma_wait3A_385 = tpu.memref_slice %arg4[%mul3A_378] : memref<50000xi32, #tpu.memory_space<hbm>> -> memref<80xi32, #tpu.memory_space<hbm>>
        tpu.wait_dma2 semaphore(%arg24 : memref<!tpu.dma_semaphore, #tpu.memory_space<semaphore_mem>>) src(%dma_wait3A_385 : memref<80xi32, #tpu.memory_space<hbm>>) dst(%arg16 : memref<80xi32, #tpu.memory_space<vmem>>)
        %get3A_386 = arith.constant 0 : index
        %get3A_387 = tpu.vector_load %arg16[%get3A_386] {strides = array<i32>} : memref<80xi32, #tpu.memory_space<vmem>>, vector<16xi32>,
        %get3A_388 = arith.constant 0 : index
        %get3A_389 = tpu.vector_load %arg15[%get3A_388] {strides = array<i32>} : memref<80xf32, #tpu.memory_space<vmem>>, vector<16xf32>,
        %gather3A = tpu.vector_load_idx %arg19[%get3A_387] : memref<1024xf32, #tpu.memory_space<vmem>>[vector<16xi32>], vector<16xf32>,
        %add3A_390 = arith.addf %get3A_389, %gather3A : vector<16xf32>
        %add3A_391 = vector.broadcast %squeeze3A : f32 to vector<16xf32>
        %add3A_392 = arith.addf %add3A_390, %add3A_391 : vector<16xf32>
        %gt3A = arith.constant 0.000000e+00 : f32
        %gt3A_393 = vector.broadcast %gt3A : f32 to vector<16xf32>
        %gt3A_394 = arith.cmpf ogt, %add3A_392, %gt3A_393 : vector<16xf32>
        %mul3A_395 = arith.constant 0.00999999977 : f32
        %mul3A_396 = vector.broadcast %mul3A_395 : f32 to vector<16xf32>
        %mul3A_397 = arith.mulf %add3A_392, %mul3A_396 : vector<16xf32>
        %select_n3A = arith.select %gt3A_394, %add3A_392, %mul3A_397 : vector<16xi1>, vector<16xf32>
        %sub3A = vector.broadcast %squeeze3A_325 : f32 to vector<16xf32>
        %sub3A_398 = arith.subf %select_n3A, %sub3A : vector<16xf32>
        %exp3A = math.exp %sub3A_398 : vector<16xf32>
        %swap3A_399 = arith.constant 0 : index
        %swap3A_400 = tpu.vector_load %arg17[%swap3A_399] {strides = array<i32>} : memref<80xf32, #tpu.memory_space<vmem>>, vector<16xf32>,
        tpu.vector_store %arg17[%swap3A_399], %exp3A {strides = array<i32>} : memref<80xf32, #tpu.memory_space<vmem>>, vector<16xf32>,
        %add3A_401 = arith.constant 0 : i32
        %add3A_402 = vector.broadcast %add3A_401 : i32 to vector<16xi32>
        %add3A_403 = arith.addi %add3A_402, %iota3A : vector<16xi32>
        %broadcast_in_dim3A_404 = arith.constant 0 : i32
        %broadcast_in_dim3A_405 = vector.broadcast %broadcast_in_dim3A_404 : i32 to vector<16xi32>
        tpu.vector_store_idx %arg18[%add3A_403, %broadcast_in_dim3A_405], %exp3A : memref<80x16xf32, #tpu.memory_space<vmem>>[vector<16xi32>, vector<16xi32>], vector<16xf32>,
        %get3A_406 = arith.constant 16 : index
        %get3A_407 = tpu.vector_load %arg16[%get3A_406] {strides = array<i32>} : memref<80xi32, #tpu.memory_space<vmem>>, vector<16xi32>,
        %get3A_408 = arith.constant 16 : index
        %get3A_409 = tpu.vector_load %arg15[%get3A_408] {strides = array<i32>} : memref<80xf32, #tpu.memory_space<vmem>>, vector<16xf32>,
        %gather3A_410 = tpu.vector_load_idx %arg19[%get3A_407] : memref<1024xf32, #tpu.memory_space<vmem>>[vector<16xi32>], vector<16xf32>,
        %add3A_411 = arith.addf %get3A_409, %gather3A_410 : vector<16xf32>
        %add3A_412 = vector.broadcast %squeeze3A : f32 to vector<16xf32>
        %add3A_413 = arith.addf %add3A_411, %add3A_412 : vector<16xf32>
        %gt3A_414 = arith.constant 0.000000e+00 : f32
        %gt3A_415 = vector.broadcast %gt3A_414 : f32 to vector<16xf32>
        %gt3A_416 = arith.cmpf ogt, %add3A_413, %gt3A_415 : vector<16xf32>
        %mul3A_417 = arith.constant 0.00999999977 : f32
        %mul3A_418 = vector.broadcast %mul3A_417 : f32 to vector<16xf32>
        %mul3A_419 = arith.mulf %add3A_413, %mul3A_418 : vector<16xf32>
        %select_n3A_420 = arith.select %gt3A_416, %add3A_413, %mul3A_419 : vector<16xi1>, vector<16xf32>
        %sub3A_421 = vector.broadcast %squeeze3A_325 : f32 to vector<16xf32>
        %sub3A_422 = arith.subf %select_n3A_420, %sub3A_421 : vector<16xf32>
        %exp3A_423 = math.exp %sub3A_422 : vector<16xf32>
        %swap3A_424 = arith.constant 16 : index
        %swap3A_425 = tpu.vector_load %arg17[%swap3A_424] {strides = array<i32>} : memref<80xf32, #tpu.memory_space<vmem>>, vector<16xf32>,
        tpu.vector_store %arg17[%swap3A_424], %exp3A_423 {strides = array<i32>} : memref<80xf32, #tpu.memory_space<vmem>>, vector<16xf32>,
        %add3A_426 = arith.constant 16 : i32
        %add3A_427 = vector.broadcast %add3A_426 : i32 to vector<16xi32>
        %add3A_428 = arith.addi %add3A_427, %iota3A : vector<16xi32>
        %broadcast_in_dim3A_429 = arith.constant 0 : i32
        %broadcast_in_dim3A_430 = vector.broadcast %broadcast_in_dim3A_429 : i32 to vector<16xi32>
        tpu.vector_store_idx %arg18[%add3A_428, %broadcast_in_dim3A_430], %exp3A_423 : memref<80x16xf32, #tpu.memory_space<vmem>>[vector<16xi32>, vector<16xi32>], vector<16xf32>,
        %get3A_431 = arith.constant 32 : index
        %get3A_432 = tpu.vector_load %arg16[%get3A_431] {strides = array<i32>} : memref<80xi32, #tpu.memory_space<vmem>>, vector<16xi32>,
        %get3A_433 = arith.constant 32 : index
        %get3A_434 = tpu.vector_load %arg15[%get3A_433] {strides = array<i32>} : memref<80xf32, #tpu.memory_space<vmem>>, vector<16xf32>,
        %gather3A_435 = tpu.vector_load_idx %arg19[%get3A_432] : memref<1024xf32, #tpu.memory_space<vmem>>[vector<16xi32>], vector<16xf32>,
        %add3A_436 = arith.addf %get3A_434, %gather3A_435 : vector<16xf32>
        %add3A_437 = vector.broadcast %squeeze3A : f32 to vector<16xf32>
        %add3A_438 = arith.addf %add3A_436, %add3A_437 : vector<16xf32>
        %gt3A_439 = arith.constant 0.000000e+00 : f32
        %gt3A_440 = vector.broadcast %gt3A_439 : f32 to vector<16xf32>
        %gt3A_441 = arith.cmpf ogt, %add3A_438, %gt3A_440 : vector<16xf32>
        %mul3A_442 = arith.constant 0.00999999977 : f32
        %mul3A_443 = vector.broadcast %mul3A_442 : f32 to vector<16xf32>
        %mul3A_444 = arith.mulf %add3A_438, %mul3A_443 : vector<16xf32>
        %select_n3A_445 = arith.select %gt3A_441, %add3A_438, %mul3A_444 : vector<16xi1>, vector<16xf32>
        %sub3A_446 = vector.broadcast %squeeze3A_325 : f32 to vector<16xf32>
        %sub3A_447 = arith.subf %select_n3A_445, %sub3A_446 : vector<16xf32>
        %exp3A_448 = math.exp %sub3A_447 : vector<16xf32>
        %swap3A_449 = arith.constant 32 : index
        %swap3A_450 = tpu.vector_load %arg17[%swap3A_449] {strides = array<i32>} : memref<80xf32, #tpu.memory_space<vmem>>, vector<16xf32>,
        tpu.vector_store %arg17[%swap3A_449], %exp3A_448 {strides = array<i32>} : memref<80xf32, #tpu.memory_space<vmem>>, vector<16xf32>,
        %add3A_451 = arith.constant 32 : i32
        %add3A_452 = vector.broadcast %add3A_451 : i32 to vector<16xi32>
        %add3A_453 = arith.addi %add3A_452, %iota3A : vector<16xi32>
        %broadcast_in_dim3A_454 = arith.constant 0 : i32
        %broadcast_in_dim3A_455 = vector.broadcast %broadcast_in_dim3A_454 : i32 to vector<16xi32>
        tpu.vector_store_idx %arg18[%add3A_453, %broadcast_in_dim3A_455], %exp3A_448 : memref<80x16xf32, #tpu.memory_space<vmem>>[vector<16xi32>, vector<16xi32>], vector<16xf32>,
        %get3A_456 = arith.constant 48 : index
        %get3A_457 = tpu.vector_load %arg16[%get3A_456] {strides = array<i32>} : memref<80xi32, #tpu.memory_space<vmem>>, vector<16xi32>,
        %get3A_458 = arith.constant 48 : index
        %get3A_459 = tpu.vector_load %arg15[%get3A_458] {strides = array<i32>} : memref<80xf32, #tpu.memory_space<vmem>>, vector<16xf32>,
        %gather3A_460 = tpu.vector_load_idx %arg19[%get3A_457] : memref<1024xf32, #tpu.memory_space<vmem>>[vector<16xi32>], vector<16xf32>,
        %add3A_461 = arith.addf %get3A_459, %gather3A_460 : vector<16xf32>
        %add3A_462 = vector.broadcast %squeeze3A : f32 to vector<16xf32>
        %add3A_463 = arith.addf %add3A_461, %add3A_462 : vector<16xf32>
        %gt3A_464 = arith.constant 0.000000e+00 : f32
        %gt3A_465 = vector.broadcast %gt3A_464 : f32 to vector<16xf32>
        %gt3A_466 = arith.cmpf ogt, %add3A_463, %gt3A_465 : vector<16xf32>
        %mul3A_467 = arith.constant 0.00999999977 : f32
        %mul3A_468 = vector.broadcast %mul3A_467 : f32 to vector<16xf32>
        %mul3A_469 = arith.mulf %add3A_463, %mul3A_468 : vector<16xf32>
        %select_n3A_470 = arith.select %gt3A_466, %add3A_463, %mul3A_469 : vector<16xi1>, vector<16xf32>
        %sub3A_471 = vector.broadcast %squeeze3A_325 : f32 to vector<16xf32>
        %sub3A_472 = arith.subf %select_n3A_470, %sub3A_471 : vector<16xf32>
        %exp3A_473 = math.exp %sub3A_472 : vector<16xf32>
        %swap3A_474 = arith.constant 48 : index
        %swap3A_475 = tpu.vector_load %arg17[%swap3A_474] {strides = array<i32>} : memref<80xf32, #tpu.memory_space<vmem>>, vector<16xf32>,
        tpu.vector_store %arg17[%swap3A_474], %exp3A_473 {strides = array<i32>} : memref<80xf32, #tpu.memory_space<vmem>>, vector<16xf32>,
        %add3A_476 = arith.constant 48 : i32
        %add3A_477 = vector.broadcast %add3A_476 : i32 to vector<16xi32>
        %add3A_478 = arith.addi %add3A_477, %iota3A : vector<16xi32>
        %broadcast_in_dim3A_479 = arith.constant 0 : i32
        %broadcast_in_dim3A_480 = vector.broadcast %broadcast_in_dim3A_479 : i32 to vector<16xi32>
        tpu.vector_store_idx %arg18[%add3A_478, %broadcast_in_dim3A_480], %exp3A_473 : memref<80x16xf32, #tpu.memory_space<vmem>>[vector<16xi32>, vector<16xi32>], vector<16xf32>,
        %get3A_481 = arith.constant 64 : index
        %get3A_482 = tpu.vector_load %arg16[%get3A_481] {strides = array<i32>} : memref<80xi32, #tpu.memory_space<vmem>>, vector<16xi32>,
        %get3A_483 = arith.constant 64 : index
        %get3A_484 = tpu.vector_load %arg15[%get3A_483] {strides = array<i32>} : memref<80xf32, #tpu.memory_space<vmem>>, vector<16xf32>,
        %gather3A_485 = tpu.vector_load_idx %arg19[%get3A_482] : memref<1024xf32, #tpu.memory_space<vmem>>[vector<16xi32>], vector<16xf32>,
        %add3A_486 = arith.addf %get3A_484, %gather3A_485 : vector<16xf32>
        %add3A_487 = vector.broadcast %squeeze3A : f32 to vector<16xf32>
        %add3A_488 = arith.addf %add3A_486, %add3A_487 : vector<16xf32>
        %gt3A_489 = arith.constant 0.000000e+00 : f32
        %gt3A_490 = vector.broadcast %gt3A_489 : f32 to vector<16xf32>
        %gt3A_491 = arith.cmpf ogt, %add3A_488, %gt3A_490 : vector<16xf32>
        %mul3A_492 = arith.constant 0.00999999977 : f32
        %mul3A_493 = vector.broadcast %mul3A_492 : f32 to vector<16xf32>
        %mul3A_494 = arith.mulf %add3A_488, %mul3A_493 : vector<16xf32>
        %select_n3A_495 = arith.select %gt3A_491, %add3A_488, %mul3A_494 : vector<16xi1>, vector<16xf32>
        %sub3A_496 = vector.broadcast %squeeze3A_325 : f32 to vector<16xf32>
        %sub3A_497 = arith.subf %select_n3A_495, %sub3A_496 : vector<16xf32>
        %exp3A_498 = math.exp %sub3A_497 : vector<16xf32>
        %swap3A_499 = arith.constant 64 : index
        %swap3A_500 = tpu.vector_load %arg17[%swap3A_499] {strides = array<i32>} : memref<80xf32, #tpu.memory_space<vmem>>, vector<16xf32>,
        tpu.vector_store %arg17[%swap3A_499], %exp3A_498 {strides = array<i32>} : memref<80xf32, #tpu.memory_space<vmem>>, vector<16xf32>,
        %add3A_501 = arith.constant 64 : i32
        %add3A_502 = vector.broadcast %add3A_501 : i32 to vector<16xi32>
        %add3A_503 = arith.addi %add3A_502, %iota3A : vector<16xi32>
        %broadcast_in_dim3A_504 = arith.constant 0 : i32
        %broadcast_in_dim3A_505 = vector.broadcast %broadcast_in_dim3A_504 : i32 to vector<16xi32>
        tpu.vector_store_idx %arg18[%add3A_503, %broadcast_in_dim3A_505], %exp3A_498 : memref<80x16xf32, #tpu.memory_space<vmem>>[vector<16xi32>, vector<16xi32>], vector<16xf32>,
        %scan3A_506 = arith.constant 0 : i32
        %scan3A_507 = arith.constant 0 : i32
        %scan3A_508 = arith.constant 80 : i32
        %scan3A_509 = arith.addi %scan3A_507, %scan3A_508 : i32
        %scan3A_510 = arith.constant 1 : i32
        scf.for %scan3A_512 = %scan3A_507 to %scan3A_509 step %scan3A_510  : i32 {
          %broadcast_in_dim3A_513 = vector.broadcast %scan3A_512 : i32 to vector<16xi32>
          %gather3A_514 = tpu.vector_load_idx %arg17[%broadcast_in_dim3A_513] : memref<80xf32, #tpu.memory_space<vmem>>[vector<16xi32>], vector<16xf32>,
          %get3A_515 = arith.index_cast %scan3A_512 : i32 to index
          %get3A_516 = arith.constant 0 : index
          %get3A_517 = tpu.vector_load %arg14[%get3A_515, %get3A_516] {strides = array<i32>} : memref<80x256xf32, #tpu.memory_space<vmem>>, vector<16xf32>,
          %mul3A_518 = arith.mulf %get3A_517, %gather3A_514 : vector<16xf32>
          %swap3A_519 = arith.index_cast %scan3A_512 : i32 to index
          %swap3A_520 = arith.constant 0 : index
          %swap3A_521 = tpu.vector_load %arg14[%swap3A_519, %swap3A_520] {strides = array<i32>} : memref<80x256xf32, #tpu.memory_space<vmem>>, vector<16xf32>,
          tpu.vector_store %arg14[%swap3A_519, %swap3A_520], %mul3A_518 {strides = array<i32>} : memref<80x256xf32, #tpu.memory_space<vmem>>, vector<16xf32>,
          %get3A_522 = arith.index_cast %scan3A_512 : i32 to index
          %get3A_523 = arith.constant 16 : index
          %get3A_524 = tpu.vector_load %arg14[%get3A_522, %get3A_523] {strides = array<i32>} : memref<80x256xf32, #tpu.memory_space<vmem>>, vector<16xf32>,
          %mul3A_525 = arith.mulf %get3A_524, %gather3A_514 : vector<16xf32>
          %swap3A_526 = arith.index_cast %scan3A_512 : i32 to index
          %swap3A_527 = arith.constant 16 : index
          %swap3A_528 = tpu.vector_load %arg14[%swap3A_526, %swap3A_527] {strides = array<i32>} : memref<80x256xf32, #tpu.memory_space<vmem>>, vector<16xf32>,
          tpu.vector_store %arg14[%swap3A_526, %swap3A_527], %mul3A_525 {strides = array<i32>} : memref<80x256xf32, #tpu.memory_space<vmem>>, vector<16xf32>,
          %get3A_529 = arith.index_cast %scan3A_512 : i32 to index
          %get3A_530 = arith.constant 32 : index
          %get3A_531 = tpu.vector_load %arg14[%get3A_529, %get3A_530] {strides = array<i32>} : memref<80x256xf32, #tpu.memory_space<vmem>>, vector<16xf32>,
          %mul3A_532 = arith.mulf %get3A_531, %gather3A_514 : vector<16xf32>
          %swap3A_533 = arith.index_cast %scan3A_512 : i32 to index
          %swap3A_534 = arith.constant 32 : index
          %swap3A_535 = tpu.vector_load %arg14[%swap3A_533, %swap3A_534] {strides = array<i32>} : memref<80x256xf32, #tpu.memory_space<vmem>>, vector<16xf32>,
          tpu.vector_store %arg14[%swap3A_533, %swap3A_534], %mul3A_532 {strides = array<i32>} : memref<80x256xf32, #tpu.memory_space<vmem>>, vector<16xf32>,
          %get3A_536 = arith.index_cast %scan3A_512 : i32 to index
          %get3A_537 = arith.constant 48 : index
          %get3A_538 = tpu.vector_load %arg14[%get3A_536, %get3A_537] {strides = array<i32>} : memref<80x256xf32, #tpu.memory_space<vmem>>, vector<16xf32>,
          %mul3A_539 = arith.mulf %get3A_538, %gather3A_514 : vector<16xf32>
          %swap3A_540 = arith.index_cast %scan3A_512 : i32 to index
          %swap3A_541 = arith.constant 48 : index
          %swap3A_542 = tpu.vector_load %arg14[%swap3A_540, %swap3A_541] {strides = array<i32>} : memref<80x256xf32, #tpu.memory_space<vmem>>, vector<16xf32>,
          tpu.vector_store %arg14[%swap3A_540, %swap3A_541], %mul3A_539 {strides = array<i32>} : memref<80x256xf32, #tpu.memory_space<vmem>>, vector<16xf32>,
          %get3A_543 = arith.index_cast %scan3A_512 : i32 to index
          %get3A_544 = arith.constant 64 : index
          %get3A_545 = tpu.vector_load %arg14[%get3A_543, %get3A_544] {strides = array<i32>} : memref<80x256xf32, #tpu.memory_space<vmem>>, vector<16xf32>,
          %mul3A_546 = arith.mulf %get3A_545, %gather3A_514 : vector<16xf32>
          %swap3A_547 = arith.index_cast %scan3A_512 : i32 to index
          %swap3A_548 = arith.constant 64 : index
          %swap3A_549 = tpu.vector_load %arg14[%swap3A_547, %swap3A_548] {strides = array<i32>} : memref<80x256xf32, #tpu.memory_space<vmem>>, vector<16xf32>,
          tpu.vector_store %arg14[%swap3A_547, %swap3A_548], %mul3A_546 {strides = array<i32>} : memref<80x256xf32, #tpu.memory_space<vmem>>, vector<16xf32>,
          %get3A_550 = arith.index_cast %scan3A_512 : i32 to index
          %get3A_551 = arith.constant 80 : index
          %get3A_552 = tpu.vector_load %arg14[%get3A_550, %get3A_551] {strides = array<i32>} : memref<80x256xf32, #tpu.memory_space<vmem>>, vector<16xf32>,
          %mul3A_553 = arith.mulf %get3A_552, %gather3A_514 : vector<16xf32>
          %swap3A_554 = arith.index_cast %scan3A_512 : i32 to index
          %swap3A_555 = arith.constant 80 : index
          %swap3A_556 = tpu.vector_load %arg14[%swap3A_554, %swap3A_555] {strides = array<i32>} : memref<80x256xf32, #tpu.memory_space<vmem>>, vector<16xf32>,
          tpu.vector_store %arg14[%swap3A_554, %swap3A_555], %mul3A_553 {strides = array<i32>} : memref<80x256xf32, #tpu.memory_space<vmem>>, vector<16xf32>,
          %get3A_557 = arith.index_cast %scan3A_512 : i32 to index
          %get3A_558 = arith.constant 96 : index
          %get3A_559 = tpu.vector_load %arg14[%get3A_557, %get3A_558] {strides = array<i32>} : memref<80x256xf32, #tpu.memory_space<vmem>>, vector<16xf32>,
          %mul3A_560 = arith.mulf %get3A_559, %gather3A_514 : vector<16xf32>
          %swap3A_561 = arith.index_cast %scan3A_512 : i32 to index
          %swap3A_562 = arith.constant 96 : index
          %swap3A_563 = tpu.vector_load %arg14[%swap3A_561, %swap3A_562] {strides = array<i32>} : memref<80x256xf32, #tpu.memory_space<vmem>>, vector<16xf32>,
          tpu.vector_store %arg14[%swap3A_561, %swap3A_562], %mul3A_560 {strides = array<i32>} : memref<80x256xf32, #tpu.memory_space<vmem>>, vector<16xf32>,
          %get3A_564 = arith.index_cast %scan3A_512 : i32 to index
          %get3A_565 = arith.constant 112 : index
          %get3A_566 = tpu.vector_load %arg14[%get3A_564, %get3A_565] {strides = array<i32>} : memref<80x256xf32, #tpu.memory_space<vmem>>, vector<16xf32>,
          %mul3A_567 = arith.mulf %get3A_566, %gather3A_514 : vector<16xf32>
          %swap3A_568 = arith.index_cast %scan3A_512 : i32 to index
          %swap3A_569 = arith.constant 112 : index
          %swap3A_570 = tpu.vector_load %arg14[%swap3A_568, %swap3A_569] {strides = array<i32>} : memref<80x256xf32, #tpu.memory_space<vmem>>, vector<16xf32>,
          tpu.vector_store %arg14[%swap3A_568, %swap3A_569], %mul3A_567 {strides = array<i32>} : memref<80x256xf32, #tpu.memory_space<vmem>>, vector<16xf32>,
          %get3A_571 = arith.index_cast %scan3A_512 : i32 to index
          %get3A_572 = arith.constant 128 : index
          %get3A_573 = tpu.vector_load %arg14[%get3A_571, %get3A_572] {strides = array<i32>} : memref<80x256xf32, #tpu.memory_space<vmem>>, vector<16xf32>,
          %mul3A_574 = arith.mulf %get3A_573, %gather3A_514 : vector<16xf32>
          %swap3A_575 = arith.index_cast %scan3A_512 : i32 to index
          %swap3A_576 = arith.constant 128 : index
          %swap3A_577 = tpu.vector_load %arg14[%swap3A_575, %swap3A_576] {strides = array<i32>} : memref<80x256xf32, #tpu.memory_space<vmem>>, vector<16xf32>,
          tpu.vector_store %arg14[%swap3A_575, %swap3A_576], %mul3A_574 {strides = array<i32>} : memref<80x256xf32, #tpu.memory_space<vmem>>, vector<16xf32>,
          %get3A_578 = arith.index_cast %scan3A_512 : i32 to index
          %get3A_579 = arith.constant 144 : index
          %get3A_580 = tpu.vector_load %arg14[%get3A_578, %get3A_579] {strides = array<i32>} : memref<80x256xf32, #tpu.memory_space<vmem>>, vector<16xf32>,
          %mul3A_581 = arith.mulf %get3A_580, %gather3A_514 : vector<16xf32>
          %swap3A_582 = arith.index_cast %scan3A_512 : i32 to index
          %swap3A_583 = arith.constant 144 : index
          %swap3A_584 = tpu.vector_load %arg14[%swap3A_582, %swap3A_583] {strides = array<i32>} : memref<80x256xf32, #tpu.memory_space<vmem>>, vector<16xf32>,
          tpu.vector_store %arg14[%swap3A_582, %swap3A_583], %mul3A_581 {strides = array<i32>} : memref<80x256xf32, #tpu.memory_space<vmem>>, vector<16xf32>,
          %get3A_585 = arith.index_cast %scan3A_512 : i32 to index
          %get3A_586 = arith.constant 160 : index
          %get3A_587 = tpu.vector_load %arg14[%get3A_585, %get3A_586] {strides = array<i32>} : memref<80x256xf32, #tpu.memory_space<vmem>>, vector<16xf32>,
          %mul3A_588 = arith.mulf %get3A_587, %gather3A_514 : vector<16xf32>
          %swap3A_589 = arith.index_cast %scan3A_512 : i32 to index
          %swap3A_590 = arith.constant 160 : index
          %swap3A_591 = tpu.vector_load %arg14[%swap3A_589, %swap3A_590] {strides = array<i32>} : memref<80x256xf32, #tpu.memory_space<vmem>>, vector<16xf32>,
          tpu.vector_store %arg14[%swap3A_589, %swap3A_590], %mul3A_588 {strides = array<i32>} : memref<80x256xf32, #tpu.memory_space<vmem>>, vector<16xf32>,
          %get3A_592 = arith.index_cast %scan3A_512 : i32 to index
          %get3A_593 = arith.constant 176 : index
          %get3A_594 = tpu.vector_load %arg14[%get3A_592, %get3A_593] {strides = array<i32>} : memref<80x256xf32, #tpu.memory_space<vmem>>, vector<16xf32>,
          %mul3A_595 = arith.mulf %get3A_594, %gather3A_514 : vector<16xf32>
          %swap3A_596 = arith.index_cast %scan3A_512 : i32 to index
          %swap3A_597 = arith.constant 176 : index
          %swap3A_598 = tpu.vector_load %arg14[%swap3A_596, %swap3A_597] {strides = array<i32>} : memref<80x256xf32, #tpu.memory_space<vmem>>, vector<16xf32>,
          tpu.vector_store %arg14[%swap3A_596, %swap3A_597], %mul3A_595 {strides = array<i32>} : memref<80x256xf32, #tpu.memory_space<vmem>>, vector<16xf32>,
          %get3A_599 = arith.index_cast %scan3A_512 : i32 to index
          %get3A_600 = arith.constant 192 : index
          %get3A_601 = tpu.vector_load %arg14[%get3A_599, %get3A_600] {strides = array<i32>} : memref<80x256xf32, #tpu.memory_space<vmem>>, vector<16xf32>,
          %mul3A_602 = arith.mulf %get3A_601, %gather3A_514 : vector<16xf32>
          %swap3A_603 = arith.index_cast %scan3A_512 : i32 to index
          %swap3A_604 = arith.constant 192 : index
          %swap3A_605 = tpu.vector_load %arg14[%swap3A_603, %swap3A_604] {strides = array<i32>} : memref<80x256xf32, #tpu.memory_space<vmem>>, vector<16xf32>,
          tpu.vector_store %arg14[%swap3A_603, %swap3A_604], %mul3A_602 {strides = array<i32>} : memref<80x256xf32, #tpu.memory_space<vmem>>, vector<16xf32>,
          %get3A_606 = arith.index_cast %scan3A_512 : i32 to index
          %get3A_607 = arith.constant 208 : index
          %get3A_608 = tpu.vector_load %arg14[%get3A_606, %get3A_607] {strides = array<i32>} : memref<80x256xf32, #tpu.memory_space<vmem>>, vector<16xf32>,
          %mul3A_609 = arith.mulf %get3A_608, %gather3A_514 : vector<16xf32>
          %swap3A_610 = arith.index_cast %scan3A_512 : i32 to index
          %swap3A_611 = arith.constant 208 : index
          %swap3A_612 = tpu.vector_load %arg14[%swap3A_610, %swap3A_611] {strides = array<i32>} : memref<80x256xf32, #tpu.memory_space<vmem>>, vector<16xf32>,
          tpu.vector_store %arg14[%swap3A_610, %swap3A_611], %mul3A_609 {strides = array<i32>} : memref<80x256xf32, #tpu.memory_space<vmem>>, vector<16xf32>,
          %get3A_613 = arith.index_cast %scan3A_512 : i32 to index
          %get3A_614 = arith.constant 224 : index
          %get3A_615 = tpu.vector_load %arg14[%get3A_613, %get3A_614] {strides = array<i32>} : memref<80x256xf32, #tpu.memory_space<vmem>>, vector<16xf32>,
          %mul3A_616 = arith.mulf %get3A_615, %gather3A_514 : vector<16xf32>
          %swap3A_617 = arith.index_cast %scan3A_512 : i32 to index
          %swap3A_618 = arith.constant 224 : index
          %swap3A_619 = tpu.vector_load %arg14[%swap3A_617, %swap3A_618] {strides = array<i32>} : memref<80x256xf32, #tpu.memory_space<vmem>>, vector<16xf32>,
          tpu.vector_store %arg14[%swap3A_617, %swap3A_618], %mul3A_616 {strides = array<i32>} : memref<80x256xf32, #tpu.memory_space<vmem>>, vector<16xf32>,
          %get3A_620 = arith.index_cast %scan3A_512 : i32 to index
          %get3A_621 = arith.constant 240 : index
          %get3A_622 = tpu.vector_load %arg14[%get3A_620, %get3A_621] {strides = array<i32>} : memref<80x256xf32, #tpu.memory_space<vmem>>, vector<16xf32>,
          %mul3A_623 = arith.mulf %get3A_622, %gather3A_514 : vector<16xf32>
          %swap3A_624 = arith.index_cast %scan3A_512 : i32 to index
          %swap3A_625 = arith.constant 240 : index
          %swap3A_626 = tpu.vector_load %arg14[%swap3A_624, %swap3A_625] {strides = array<i32>} : memref<80x256xf32, #tpu.memory_space<vmem>>, vector<16xf32>,
          tpu.vector_store %arg14[%swap3A_624, %swap3A_625], %mul3A_623 {strides = array<i32>} : memref<80x256xf32, #tpu.memory_space<vmem>>, vector<16xf32>,
        }
        %scan3A_511 = arith.constant 80 : i32
        "tpu.region"() ({
          %run_scoped3A = tpu.sem_alloc : memref<!tpu.dma_semaphore, #tpu.memory_space<semaphore_mem>>
          %dma_start3A = arith.constant 0 : i32
          %dma_start3A_512 = arith.constant 0 : i32
          %dma_start3A_513 = tpu.memref_slice %arg21[%dma_start3A, %dma_start3A_512] : memref<1024x256xf32, #tpu.memory_space<vmem_shared>> -> memref<1024x256xf32, #tpu.memory_space<vmem_shared>>
          tpu.enqueue_indirect_dma source(%arg14 : memref<80x256xf32, #tpu.memory_space<vmem>>) target(%dma_start3A_513 : memref<1024x256xf32, #tpu.memory_space<vmem_shared>>) offsets(%arg16 : memref<80xi32, #tpu.memory_space<vmem>>) semaphore(%run_scoped3A : memref<!tpu.dma_semaphore, #tpu.memory_space<semaphore_mem>>) {add = true}
          %dma_wait3A_514 = arith.constant 0 : i32
          %dma_wait3A_515 = arith.constant 0 : i32
          %dma_wait3A_516 = tpu.memref_slice %arg21[%dma_wait3A_514, %dma_wait3A_515] : memref<1024x256xf32, #tpu.memory_space<vmem_shared>> -> memref<1024x256xf32, #tpu.memory_space<vmem_shared>>
          tpu.wait_indirect_dma semaphore(%run_scoped3A : memref<!tpu.dma_semaphore, #tpu.memory_space<semaphore_mem>>) src(%arg14 : memref<80x256xf32, #tpu.memory_space<vmem>>) dst(%dma_wait3A_516 : memref<1024x256xf32, #tpu.memory_space<vmem_shared>>)
          tpu.yield
        }) : () -> ()
        "tpu.region"() ({
          %run_scoped3A = tpu.sem_alloc : memref<!tpu.dma_semaphore, #tpu.memory_space<semaphore_mem>>
          %dma_start3A = arith.constant 0 : i32
          %dma_start3A_512 = arith.constant 0 : i32
          %dma_start3A_513 = tpu.memref_slice %arg22[%dma_start3A, %dma_start3A_512] : memref<1024x16xf32, #tpu.memory_space<vmem_shared>> -> memref<1024x16xf32, #tpu.memory_space<vmem_shared>>
          tpu.enqueue_indirect_dma source(%arg18 : memref<80x16xf32, #tpu.memory_space<vmem>>) target(%dma_start3A_513 : memref<1024x16xf32, #tpu.memory_space<vmem_shared>>) offsets(%arg16 : memref<80xi32, #tpu.memory_space<vmem>>) semaphore(%run_scoped3A : memref<!tpu.dma_semaphore, #tpu.memory_space<semaphore_mem>>) {add = true}
          %dma_wait3A_514 = arith.constant 0 : i32
          %dma_wait3A_515 = arith.constant 0 : i32
          %dma_wait3A_516 = tpu.memref_slice %arg22[%dma_wait3A_514, %dma_wait3A_515] : memref<1024x16xf32, #tpu.memory_space<vmem_shared>> -> memref<1024x16xf32, #tpu.memory_space<vmem_shared>>
          tpu.wait_indirect_dma semaphore(%run_scoped3A : memref<!tpu.dma_semaphore, #tpu.memory_space<semaphore_mem>>) src(%arg18 : memref<80x16xf32, #tpu.memory_space<vmem>>) dst(%dma_wait3A_516 : memref<1024x16xf32, #tpu.memory_space<vmem_shared>>)
          tpu.yield
        }) : () -> ()
      } else {
      }
    }
    %scan3A_334 = arith.constant 10 : i32
    %barrier3A_335 = arith.constant 0 : index
    tpu.barrier barrier_id(%barrier3A_335)
    %eq3A_336 = arith.constant 0 : i32
    %eq3A_337 = arith.cmpi eq, %arg1, %eq3A_336 : i32
    %convert_element_type3A_338 = arith.extui %eq3A_337 : i1 to i32
    %cond3A_339 = arith.constant 0 : i32
    %cond3A_340 = arith.cmpi ne, %convert_element_type3A_338, %cond3A_339 : i32
    scf.if %cond3A_340 {
      "tpu.region"() ({
        %run_scoped3A = tpu.sem_alloc : memref<!tpu.dma_semaphore, #tpu.memory_space<semaphore_mem>>
        %dma_start3A = arith.constant 0 : i32
        %dma_start3A_341 = arith.constant 0 : i32
        %dma_start3A_342 = tpu.memref_slice %arg9[%arg0, %dma_start3A, %dma_start3A_341] : memref<2x1024x256xf32, #tpu.memory_space<hbm>> -> memref<1x1024x256xf32, #tpu.memory_space<hbm>>
        %dma_start3A_343 = tpu.memref_squeeze %dma_start3A_342 : memref<1x1024x256xf32, #tpu.memory_space<hbm>> -> memref<1024x256xf32, #tpu.memory_space<hbm>>
        tpu.enqueue_dma source(%arg21 : memref<1024x256xf32, #tpu.memory_space<vmem_shared>>) target(%dma_start3A_343 : memref<1024x256xf32, #tpu.memory_space<hbm>>) target_semaphore(%run_scoped3A : memref<!tpu.dma_semaphore, #tpu.memory_space<semaphore_mem>>)
        %dma_wait3A = arith.constant 0 : i32
        %dma_wait3A_344 = arith.constant 0 : i32
        %dma_wait3A_345 = tpu.memref_slice %arg9[%arg0, %dma_wait3A, %dma_wait3A_344] : memref<2x1024x256xf32, #tpu.memory_space<hbm>> -> memref<1x1024x256xf32, #tpu.memory_space<hbm>>
        %dma_wait3A_346 = tpu.memref_squeeze %dma_wait3A_345 : memref<1x1024x256xf32, #tpu.memory_space<hbm>> -> memref<1024x256xf32, #tpu.memory_space<hbm>>
        tpu.wait_dma2 semaphore(%run_scoped3A : memref<!tpu.dma_semaphore, #tpu.memory_space<semaphore_mem>>) src(%arg21 : memref<1024x256xf32, #tpu.memory_space<vmem_shared>>) dst(%dma_wait3A_346 : memref<1024x256xf32, #tpu.memory_space<hbm>>)
        tpu.yield
      }) : () -> ()
      "tpu.region"() ({
        %run_scoped3A = tpu.sem_alloc : memref<!tpu.dma_semaphore, #tpu.memory_space<semaphore_mem>>
        %dma_start3A = arith.constant 0 : i32
        %dma_start3A_341 = arith.constant 0 : i32
        %dma_start3A_342 = tpu.memref_slice %arg10[%arg0, %dma_start3A, %dma_start3A_341] : memref<2x1024x16xf32, #tpu.memory_space<hbm>> -> memref<1x1024x16xf32, #tpu.memory_space<hbm>>
        %dma_start3A_343 = tpu.memref_squeeze %dma_start3A_342 : memref<1x1024x16xf32, #tpu.memory_space<hbm>> -> memref<1024x16xf32, #tpu.memory_space<hbm>>
        tpu.enqueue_dma source(%arg22 : memref<1024x16xf32, #tpu.memory_space<vmem_shared>>) target(%dma_start3A_343 : memref<1024x16xf32, #tpu.memory_space<hbm>>) target_semaphore(%run_scoped3A : memref<!tpu.dma_semaphore, #tpu.memory_space<semaphore_mem>>)
        %dma_wait3A = arith.constant 0 : i32
        %dma_wait3A_344 = arith.constant 0 : i32
        %dma_wait3A_345 = tpu.memref_slice %arg10[%arg0, %dma_wait3A, %dma_wait3A_344] : memref<2x1024x16xf32, #tpu.memory_space<hbm>> -> memref<1x1024x16xf32, #tpu.memory_space<hbm>>
        %dma_wait3A_346 = tpu.memref_squeeze %dma_wait3A_345 : memref<1x1024x16xf32, #tpu.memory_space<hbm>> -> memref<1024x16xf32, #tpu.memory_space<hbm>>
        tpu.wait_dma2 semaphore(%run_scoped3A : memref<!tpu.dma_semaphore, #tpu.memory_space<semaphore_mem>>) src(%arg22 : memref<1024x16xf32, #tpu.memory_space<vmem_shared>>) dst(%dma_wait3A_346 : memref<1024x16xf32, #tpu.memory_space<hbm>>)
        tpu.yield
      }) : () -> ()
    } else {
    }
    return
  }
}

module attributes {stable_mosaic.version = 14 : i64} {
  func.func @_matvec_body(%arg0: i32, %arg1: memref<1000x256xf32, #tpu.memory_space<vmem>>, %arg2: memref<256x1xf32, #tpu.memory_space<vmem>>, %arg3: memref<1000x1xf32, #tpu.memory_space<vmem>>, %arg4: memref<1x1xf32, #tpu.memory_space<vmem>>) attributes {dimension_semantics = [#tpu.dimension_semantics<arbitrary>], iteration_bounds = array<i64: 50>, scalar_prefetch = 0 : i64, scratch_operands = 0 : i64, tpu.core_type = #tpu.core_type<tc>, window_params = [{transform_indices = @transform_0, window_bounds = array<i64: 1000, 256>}, {pipeline_mode = #tpu.pipeline_mode<synchronous>, transform_indices = @transform_1, window_bounds = array<i64: 256, 1>}, {transform_indices = @transform_2, window_bounds = array<i64: 1000, 1>}, {pipeline_mode = #tpu.pipeline_mode<synchronous>, transform_indices = @transform_3, window_bounds = array<i64: 1, 1>}]} {
    %get3A = arith.constant 0 : index
    %get3A_0 = arith.constant 0 : index
    %get3A_1 = vector.load %arg1[%get3A, %get3A_0] : memref<1000x256xf32, #tpu.memory_space<vmem>>, vector<1000x256xf32>
    %get3A_2 = arith.constant 0 : index
    %get3A_3 = arith.constant 0 : index
    %get3A_4 = vector.load %arg2[%get3A_2, %get3A_3] : memref<256x1xf32, #tpu.memory_space<vmem>>, vector<256x1xf32>
    %dot_general3A = arith.constant dense<0.000000e+00> : vector<1000x1xf32>
    %dot_general3A_5 = tpu.matmul %get3A_1, %get3A_4, %dot_general3A {dimension_numbers = #tpu.dot_dimension_numbers<[1], [0], [0], [1], [0, 0, 1, 1], [], []>, transpose_lhs_hint = false} : vector<1000x256xf32>, vector<256x1xf32>, vector<1000x1xf32> -> vector<1000x1xf32>
    %swap3A = arith.constant 0 : index
    %swap3A_6 = arith.constant 0 : index
    %swap3A_7 = vector.load %arg3[%swap3A, %swap3A_6] : memref<1000x1xf32, #tpu.memory_space<vmem>>, vector<1000x1xf32>
    tpu.vector_store %arg3[%swap3A, %swap3A_6], %dot_general3A_5 {strides = array<i32>} : memref<1000x1xf32, #tpu.memory_space<vmem>>, vector<1000x1xf32>,
    %reduce_max3A = vector.shape_cast %dot_general3A_5 : vector<1000x1xf32> to vector<1x1000x1xf32>
    %reduce_max3A_8 = arith.constant dense<0xFF800000> : vector<1xf32>
    %reduce_max3A_9 = vector.multi_reduction <maximumf>, %reduce_max3A, %reduce_max3A_8 [1, 2] : vector<1x1000x1xf32> to vector<1xf32>
    %reduce_max3A_10 = vector.shape_cast %reduce_max3A_9 : vector<1xf32> to vector<1x1x1xf32>
    %reduce_max3A_11 = vector.extract %reduce_max3A_10[0, 0, 0] : f32 from vector<1x1x1xf32>
    %broadcast_in_dim3A = vector.broadcast %reduce_max3A_11 : f32 to vector<1x1xf32>
    %eq3A = arith.constant 0 : i32
    %eq3A_12 = arith.cmpi eq, %arg0, %eq3A : i32
    %convert_element_type3A = arith.extui %eq3A_12 : i1 to i32
    %cond3A = arith.constant 0 : i32
    %cond3A_13 = arith.cmpi ne, %convert_element_type3A, %cond3A : i32
    scf.if %cond3A_13 {
      %swap3A_18 = arith.constant 0 : index
      %swap3A_19 = arith.constant 0 : index
      %swap3A_20 = vector.load %arg4[%swap3A_18, %swap3A_19] : memref<1x1xf32, #tpu.memory_space<vmem>>, vector<1x1xf32>
      tpu.vector_store %arg4[%swap3A_18, %swap3A_19], %broadcast_in_dim3A {strides = array<i32>} : memref<1x1xf32, #tpu.memory_space<vmem>>, vector<1x1xf32>,
    } else {
    }
    %ne3A = arith.constant 0 : i32
    %ne3A_14 = arith.cmpi ne, %arg0, %ne3A : i32
    %convert_element_type3A_15 = arith.extui %ne3A_14 : i1 to i32
    %cond3A_16 = arith.constant 0 : i32
    %cond3A_17 = arith.cmpi ne, %convert_element_type3A_15, %cond3A_16 : i32
    scf.if %cond3A_17 {
      %get3A_18 = arith.constant 0 : index
      %get3A_19 = arith.constant 0 : index
      %get3A_20 = vector.load %arg4[%get3A_18, %get3A_19] : memref<1x1xf32, #tpu.memory_space<vmem>>, vector<1x1xf32>
      %max3A = arith.maximumf %get3A_20, %broadcast_in_dim3A : vector<1x1xf32>
      %swap3A_21 = arith.constant 0 : index
      %swap3A_22 = arith.constant 0 : index
      %swap3A_23 = vector.load %arg4[%swap3A_21, %swap3A_22] : memref<1x1xf32, #tpu.memory_space<vmem>>, vector<1x1xf32>
      tpu.vector_store %arg4[%swap3A_21, %swap3A_22], %max3A {strides = array<i32>} : memref<1x1xf32, #tpu.memory_space<vmem>>, vector<1x1xf32>,
    } else {
    }
    return
  }
  func.func @transform_0(%arg0: i32) -> (i32, i32) {
    %c0_i32 = arith.constant 0 : i32
    %c0_i32_0 = arith.constant 0 : i32
    return %arg0, %c0_i32 : i32, i32
  }
  func.func @transform_1(%arg0: i32) -> (i32, i32) {
    %c0_i32 = arith.constant 0 : i32
    %c0_i32_0 = arith.constant 0 : i32
    %c0_i32_1 = arith.constant 0 : i32
    return %c0_i32, %c0_i32_0 : i32, i32
  }
  func.func @transform_2(%arg0: i32) -> (i32, i32) {
    %c0_i32 = arith.constant 0 : i32
    %c0_i32_0 = arith.constant 0 : i32
    return %arg0, %c0_i32 : i32, i32
  }
  func.func @transform_3(%arg0: i32) -> (i32, i32) {
    %c0_i32 = arith.constant 0 : i32
    %c0_i32_0 = arith.constant 0 : i32
    %c0_i32_1 = arith.constant 0 : i32
    return %c0_i32, %c0_i32_0 : i32, i32
  }
}

module attributes {stable_mosaic.version = 14 : i64} {
  func.func @_umat_body(%arg0: memref<1024x256xf32, #tpu.memory_space<vmem>>, %arg1: memref<256x1xf32, #tpu.memory_space<vmem>>, %arg2: memref<1024x1xf32, #tpu.memory_space<vmem>>, %arg3: memref<1x1xf32, #tpu.memory_space<vmem>>) attributes {dimension_semantics = [], scalar_prefetch = 0 : i64, scratch_operands = 0 : i64, tpu.core_type = #tpu.core_type<tc>} {
    %get3A = arith.constant 0 : index
    %get3A_0 = arith.constant 0 : index
    %get3A_1 = vector.load %arg0[%get3A, %get3A_0] : memref<1024x256xf32, #tpu.memory_space<vmem>>, vector<1024x256xf32>
    %max3A = arith.constant 0.000000e+00 : f32
    %max3A_2 = vector.broadcast %max3A : f32 to vector<1024x256xf32>
    %max3A_3 = arith.maximumf %get3A_1, %max3A_2 : vector<1024x256xf32>
    %get3A_4 = arith.constant 0 : index
    %get3A_5 = arith.constant 0 : index
    %get3A_6 = vector.load %arg1[%get3A_4, %get3A_5] : memref<256x1xf32, #tpu.memory_space<vmem>>, vector<256x1xf32>
    %dot_general3A = arith.constant dense<0.000000e+00> : vector<1024x1xf32>
    %dot_general3A_7 = tpu.matmul %max3A_3, %get3A_6, %dot_general3A {dimension_numbers = #tpu.dot_dimension_numbers<[1], [0], [0], [1], [0, 0, 1, 1], [], []>, transpose_lhs_hint = false} : vector<1024x256xf32>, vector<256x1xf32>, vector<1024x1xf32> -> vector<1024x1xf32>
    %swap3A = arith.constant 0 : index
    %swap3A_8 = arith.constant 0 : index
    %swap3A_9 = vector.load %arg2[%swap3A, %swap3A_8] : memref<1024x1xf32, #tpu.memory_space<vmem>>, vector<1024x1xf32>
    tpu.vector_store %arg2[%swap3A, %swap3A_8], %dot_general3A_7 {strides = array<i32>} : memref<1024x1xf32, #tpu.memory_space<vmem>>, vector<1024x1xf32>,
    %reduce_max3A = vector.shape_cast %dot_general3A_7 : vector<1024x1xf32> to vector<1x1024x1xf32>
    %reduce_max3A_10 = arith.constant dense<0xFF800000> : vector<1xf32>
    %reduce_max3A_11 = vector.multi_reduction <maximumf>, %reduce_max3A, %reduce_max3A_10 [1, 2] : vector<1x1024x1xf32> to vector<1xf32>
    %reduce_max3A_12 = vector.shape_cast %reduce_max3A_11 : vector<1xf32> to vector<1x1x1xf32>
    %reduce_max3A_13 = vector.extract %reduce_max3A_12[0, 0, 0] : f32 from vector<1x1x1xf32>
    %broadcast_in_dim3A = vector.broadcast %reduce_max3A_13 : f32 to vector<1x1xf32>
    %swap3A_14 = arith.constant 0 : index
    %swap3A_15 = arith.constant 0 : index
    %swap3A_16 = vector.load %arg3[%swap3A_14, %swap3A_15] : memref<1x1xf32, #tpu.memory_space<vmem>>, vector<1x1xf32>
    tpu.vector_store %arg3[%swap3A_14, %swap3A_15], %broadcast_in_dim3A {strides = array<i32>} : memref<1x1xf32, #tpu.memory_space<vmem>>, vector<1x1xf32>,
    return
  }
}

module attributes {stable_mosaic.version = 14 : i64} {
  func.func @_final_body(%arg0: memref<2x1024x256xf32, #tpu.memory_space<vmem>>, %arg1: memref<2x1024x16xf32, #tpu.memory_space<vmem>>, %arg2: memref<1024x256xf32, #tpu.memory_space<vmem>>, %arg3: memref<256x256xf32, #tpu.memory_space<vmem>>, %arg4: memref<256xf32, #tpu.memory_space<vmem>>, %arg5: memref<768x256xf32, #tpu.memory_space<vmem>>, %arg6: memref<768x256xf32, #tpu.memory_space<vmem>>, %arg7: memref<768xf32, #tpu.memory_space<vmem>>, %arg8: memref<768xf32, #tpu.memory_space<vmem>>, %arg9: memref<1024x256xf32, #tpu.memory_space<vmem>>) attributes {dimension_semantics = [], scalar_prefetch = 0 : i64, scratch_operands = 0 : i64, tpu.core_type = #tpu.core_type<tc>} {
    %get3A = arith.constant 0 : index
    %get3A_0 = arith.constant 0 : index
    %get3A_1 = arith.constant 0 : index
    %get3A_2 = vector.load %arg0[%get3A, %get3A_0, %get3A_1] : memref<2x1024x256xf32, #tpu.memory_space<vmem>>, vector<1x1024x256xf32>
    %get3A_3 = vector.shape_cast %get3A_2 : vector<1x1024x256xf32> to vector<1024x256xf32>
    %get3A_4 = arith.constant 1 : index
    %get3A_5 = arith.constant 0 : index
    %get3A_6 = arith.constant 0 : index
    %get3A_7 = vector.load %arg0[%get3A_4, %get3A_5, %get3A_6] : memref<2x1024x256xf32, #tpu.memory_space<vmem>>, vector<1x1024x256xf32>
    %get3A_8 = vector.shape_cast %get3A_7 : vector<1x1024x256xf32> to vector<1024x256xf32>
    %add3A = arith.addf %get3A_3, %get3A_8 : vector<1024x256xf32>
    %get3A_9 = arith.constant 0 : index
    %get3A_10 = arith.constant 0 : index
    %get3A_11 = arith.constant 0 : index
    %get3A_12 = vector.load %arg1[%get3A_9, %get3A_10, %get3A_11] : memref<2x1024x16xf32, #tpu.memory_space<vmem>>, vector<1x1024x1xf32>
    %get3A_13 = vector.shape_cast %get3A_12 : vector<1x1024x1xf32> to vector<1024xf32>
    %get3A_14 = arith.constant 1 : index
    %get3A_15 = arith.constant 0 : index
    %get3A_16 = arith.constant 0 : index
    %get3A_17 = vector.load %arg1[%get3A_14, %get3A_15, %get3A_16] : memref<2x1024x16xf32, #tpu.memory_space<vmem>>, vector<1x1024x1xf32>
    %get3A_18 = vector.shape_cast %get3A_17 : vector<1x1024x1xf32> to vector<1024xf32>
    %add3A_19 = arith.addf %get3A_13, %get3A_18 : vector<1024xf32>
    %gt3A = arith.constant 0.000000e+00 : f32
    %gt3A_20 = vector.broadcast %gt3A : f32 to vector<1024xf32>
    %gt3A_21 = arith.cmpf ogt, %add3A_19, %gt3A_20 : vector<1024xf32>
    %jit3A = arith.constant 1.000000e+00 : f32
    %broadcast_in_dim3A = vector.broadcast %jit3A : f32 to vector<1024xf32>
    %select_n3A = arith.select %gt3A_21, %add3A_19, %broadcast_in_dim3A : vector<1024xi1>, vector<1024xf32>
    %div3A = arith.constant 1.000000e+00 : f32
    %div3A_22 = vector.broadcast %div3A : f32 to vector<1024xf32>
    %div3A_23 = arith.divf %div3A_22, %select_n3A : vector<1024xf32>
    %jit3A_24 = arith.constant 0.000000e+00 : f32
    %broadcast_in_dim3A_25 = vector.broadcast %jit3A_24 : f32 to vector<1024xf32>
    %select_n3A_26 = arith.select %gt3A_21, %div3A_23, %broadcast_in_dim3A_25 : vector<1024xi1>, vector<1024xf32>
    %broadcast_in_dim3A_27 = vector.shape_cast %select_n3A_26 : vector<1024xf32> to vector<1024x1xf32>
    %mul3A = vector.broadcast %broadcast_in_dim3A_27 : vector<1024x1xf32> to vector<1024x256xf32>
    %mul3A_28 = arith.mulf %add3A, %mul3A : vector<1024x256xf32>
    %get3A_29 = arith.constant 0 : index
    %get3A_30 = arith.constant 0 : index
    %get3A_31 = vector.load %arg3[%get3A_29, %get3A_30] : memref<256x256xf32, #tpu.memory_space<vmem>>, vector<256x256xf32>
    %dot_general3A = arith.constant dense<0.000000e+00> : vector<1024x256xf32>
    %dot_general3A_32 = tpu.matmul %mul3A_28, %get3A_31, %dot_general3A {dimension_numbers = #tpu.dot_dimension_numbers<[1], [1], [0], [0], [0, 0, 1, 0], [], []>, transpose_lhs_hint = false} : vector<1024x256xf32>, vector<256x256xf32>, vector<1024x256xf32> -> vector<1024x256xf32>
    %get3A_33 = arith.constant 0 : index
    %get3A_34 = vector.load %arg4[%get3A_33] : memref<256xf32, #tpu.memory_space<vmem>>, vector<256xf32>
    %broadcast_in_dim3A_35 = vector.shape_cast %get3A_34 : vector<256xf32> to vector<1x256xf32>
    %broadcast_in_dim3A_36 = vector.shape_cast %gt3A_21 : vector<1024xi1> to vector<1024x1xi1>
    %convert_element_type3A = arith.extui %broadcast_in_dim3A_36 : vector<1024x1xi1> to vector<1024x1xi32>
    %convert_element_type3A_37 = arith.sitofp %convert_element_type3A : vector<1024x1xi32> to vector<1024x1xf32>
    %mul3A_38 = vector.broadcast %broadcast_in_dim3A_35 : vector<1x256xf32> to vector<1024x256xf32>
    %mul3A_39 = vector.broadcast %convert_element_type3A_37 : vector<1024x1xf32> to vector<1024x256xf32>
    %mul3A_40 = arith.mulf %mul3A_38, %mul3A_39 : vector<1024x256xf32>
    %add3A_41 = arith.addf %dot_general3A_32, %mul3A_40 : vector<1024x256xf32>
    %gt3A_42 = arith.constant 0.000000e+00 : f32
    %gt3A_43 = vector.broadcast %gt3A_42 : f32 to vector<1024x256xf32>
    %gt3A_44 = arith.cmpf ogt, %add3A_41, %gt3A_43 : vector<1024x256xf32>
    %min3A = arith.constant 0.000000e+00 : f32
    %min3A_45 = vector.broadcast %min3A : f32 to vector<1024x256xf32>
    %min3A_46 = arith.minimumf %add3A_41, %min3A_45 : vector<1024x256xf32>
    %exp3A = math.exp %min3A_46 : vector<1024x256xf32>
    %sub3A = arith.constant 1.000000e+00 : f32
    %sub3A_47 = vector.broadcast %sub3A : f32 to vector<1024x256xf32>
    %sub3A_48 = arith.subf %exp3A, %sub3A_47 : vector<1024x256xf32>
    %select_n3A_49 = arith.select %gt3A_44, %add3A_41, %sub3A_48 : vector<1024x256xi1>, vector<1024x256xf32>
    %get3A_50 = arith.constant 0 : index
    %get3A_51 = arith.constant 0 : index
    %get3A_52 = vector.load %arg2[%get3A_50, %get3A_51] : memref<1024x256xf32, #tpu.memory_space<vmem>>, vector<1024x256xf32>
    %get3A_53 = arith.constant 0 : index
    %get3A_54 = arith.constant 0 : index
    %get3A_55 = vector.load %arg5[%get3A_53, %get3A_54] : memref<768x256xf32, #tpu.memory_space<vmem>>, vector<768x256xf32>
    %dot_general3A_56 = arith.constant dense<0.000000e+00> : vector<1024x768xf32>
    %dot_general3A_57 = tpu.matmul %select_n3A_49, %get3A_55, %dot_general3A_56 {dimension_numbers = #tpu.dot_dimension_numbers<[1], [1], [0], [0], [0, 0, 1, 0], [], []>, transpose_lhs_hint = false} : vector<1024x256xf32>, vector<768x256xf32>, vector<1024x768xf32> -> vector<1024x768xf32>
    %get3A_58 = arith.constant 0 : index
    %get3A_59 = vector.load %arg7[%get3A_58] : memref<768xf32, #tpu.memory_space<vmem>>, vector<768xf32>
    %broadcast_in_dim3A_60 = vector.shape_cast %get3A_59 : vector<768xf32> to vector<1x768xf32>
    %add3A_61 = vector.broadcast %broadcast_in_dim3A_60 : vector<1x768xf32> to vector<1024x768xf32>
    %add3A_62 = arith.addf %dot_general3A_57, %add3A_61 : vector<1024x768xf32>
    %get3A_63 = arith.constant 0 : index
    %get3A_64 = arith.constant 0 : index
    %get3A_65 = vector.load %arg6[%get3A_63, %get3A_64] : memref<768x256xf32, #tpu.memory_space<vmem>>, vector<768x256xf32>
    %dot_general3A_66 = arith.constant dense<0.000000e+00> : vector<1024x768xf32>
    %dot_general3A_67 = tpu.matmul %get3A_52, %get3A_65, %dot_general3A_66 {dimension_numbers = #tpu.dot_dimension_numbers<[1], [1], [0], [0], [0, 0, 1, 0], [], []>, transpose_lhs_hint = false} : vector<1024x256xf32>, vector<768x256xf32>, vector<1024x768xf32> -> vector<1024x768xf32>
    %get3A_68 = arith.constant 0 : index
    %get3A_69 = vector.load %arg8[%get3A_68] : memref<768xf32, #tpu.memory_space<vmem>>, vector<768xf32>
    %broadcast_in_dim3A_70 = vector.shape_cast %get3A_69 : vector<768xf32> to vector<1x768xf32>
    %add3A_71 = vector.broadcast %broadcast_in_dim3A_70 : vector<1x768xf32> to vector<1024x768xf32>
    %add3A_72 = arith.addf %dot_general3A_67, %add3A_71 : vector<1024x768xf32>
    %slice3A = vector.extract_strided_slice %add3A_62 {offsets = [0, 0], sizes = [1024, 256], strides = [1, 1]} : vector<1024x768xf32> to vector<1024x256xf32>
    %slice3A_73 = vector.extract_strided_slice %add3A_62 {offsets = [0, 256], sizes = [1024, 256], strides = [1, 1]} : vector<1024x768xf32> to vector<1024x256xf32>
    %slice3A_74 = vector.extract_strided_slice %add3A_62 {offsets = [0, 512], sizes = [1024, 256], strides = [1, 1]} : vector<1024x768xf32> to vector<1024x256xf32>
    %slice3A_75 = vector.extract_strided_slice %add3A_72 {offsets = [0, 0], sizes = [1024, 256], strides = [1, 1]} : vector<1024x768xf32> to vector<1024x256xf32>
    %slice3A_76 = vector.extract_strided_slice %add3A_72 {offsets = [0, 256], sizes = [1024, 256], strides = [1, 1]} : vector<1024x768xf32> to vector<1024x256xf32>
    %slice3A_77 = vector.extract_strided_slice %add3A_72 {offsets = [0, 512], sizes = [1024, 256], strides = [1, 1]} : vector<1024x768xf32> to vector<1024x256xf32>
    %add3A_78 = arith.addf %slice3A, %slice3A_75 : vector<1024x256xf32>
    %logistic3A = arith.negf %add3A_78 : vector<1024x256xf32>
    %logistic3A_79 = math.exp %logistic3A : vector<1024x256xf32>
    %logistic3A_80 = arith.constant 1.000000e+00 : f32
    %logistic3A_81 = vector.broadcast %logistic3A_80 : f32 to vector<1024x256xf32>
    %logistic3A_82 = arith.addf %logistic3A_81, %logistic3A_79 : vector<1024x256xf32>
    %logistic3A_83 = arith.divf %logistic3A_81, %logistic3A_82 : vector<1024x256xf32>
    %add3A_84 = arith.addf %slice3A_73, %slice3A_76 : vector<1024x256xf32>
    %logistic3A_85 = arith.negf %add3A_84 : vector<1024x256xf32>
    %logistic3A_86 = math.exp %logistic3A_85 : vector<1024x256xf32>
    %logistic3A_87 = arith.constant 1.000000e+00 : f32
    %logistic3A_88 = vector.broadcast %logistic3A_87 : f32 to vector<1024x256xf32>
    %logistic3A_89 = arith.addf %logistic3A_88, %logistic3A_86 : vector<1024x256xf32>
    %logistic3A_90 = arith.divf %logistic3A_88, %logistic3A_89 : vector<1024x256xf32>
    %mul3A_91 = arith.mulf %logistic3A_83, %slice3A_77 : vector<1024x256xf32>
    %add3A_92 = arith.addf %slice3A_74, %mul3A_91 : vector<1024x256xf32>
    %tanh3A = math.tanh %add3A_92 : vector<1024x256xf32>
    %sub3A_93 = arith.constant 1.000000e+00 : f32
    %sub3A_94 = vector.broadcast %sub3A_93 : f32 to vector<1024x256xf32>
    %sub3A_95 = arith.subf %sub3A_94, %logistic3A_90 : vector<1024x256xf32>
    %mul3A_96 = arith.mulf %sub3A_95, %tanh3A : vector<1024x256xf32>
    %mul3A_97 = arith.mulf %logistic3A_90, %get3A_52 : vector<1024x256xf32>
    %add3A_98 = arith.addf %mul3A_96, %mul3A_97 : vector<1024x256xf32>
    %swap3A = arith.constant 0 : index
    %swap3A_99 = arith.constant 0 : index
    %swap3A_100 = vector.load %arg9[%swap3A, %swap3A_99] : memref<1024x256xf32, #tpu.memory_space<vmem>>, vector<1024x256xf32>
    tpu.vector_store %arg9[%swap3A, %swap3A_99], %add3A_98 {strides = array<i32>} : memref<1024x256xf32, #tpu.memory_space<vmem>>, vector<1024x256xf32>,
    return
  }
}

</mosaic_0001>

<sc_bundles>
// kernel: kernel.6.cloned.1.call-start
scs
__scs_entry_jumppad:
0x0: {  	(pc) =	sbr.rel $0x88, $3  }
0x1: {  	(tag) =	ssettag $0x0;
	lr =	simm.s32 $0x1  }
0x2: {  	[smem:$0x3F96] =	sst lr;
	_ =	strace $0xD0000000  }
0x3: {  	_ = 	snop  }
0x4: {  	_ = 	snop  }
0x5: {  	_ = 	snop  }
0x6: {  	_ = 	snop  }
0x7: {  	_ = 	snop  }
__scs_overlays_trampoline_lowered:
0x8: {  	[smem:$0x3FA5] =	sst s0  }
0x9: {  	[smem:$0x3FA6] =	sst s1  }
0xa: {  	[smem:$0x3FA7] =	sst s2  }
0xb: {  	[smem:$0x3FA8] =	sst s3  }
0xc: {  	[smem:$0x3FA9] =	sst s4  }
0xd: {  	[smem:$0x3FAA] =	sst s5  }
0xe: {  	[smem:$0x3FAB] =	sst s6  }
0xf: {  	[smem:$0x3FAC] =	sst s7  }
0x10: {  	[smem:$0x3FAD] =	sst s8  }
0x11: {  	[smem:$0x3FAE] =	sst s9;
	s0 =	simm.s32 @!p0 $0x0  }
0x12: {  	s1 =	sld [smem:$0x3F94];
	s0 =	simm.s32 @p0 $0x1  }
0x13: {  	[smem:$0x3FAF] =	sst s0;
	s0 =	simm.s32 @!p1 $0x0  }
0x14: {  	s2 =	sld [smem:$0x3F93];
	s0 =	simm.s32 @p1 $0x1  }
0x15: {  	[smem:$0x3FB0] =	sst s0;
	s0 =	simm.s32 @!p2 $0x0  }
0x16: {  	s3 =	sld [smem:$0x3FDB];
	s0 =	simm.s32 @p2 $0x1  }
0x17: {  	s4 =	simm.s32 $0x1BF5;
	[smem:$0x3FB2] =	sst s0  }
0x18: {  	s0 =	sld [smem:$0x3F95];
	_ =	swait.ge [sflag:s4], $0x0  }
0x19: {  	s7 =	sld [smem:$0x3F96]  }
0x1a: {  	s8 =	sadd.s32 $0xFFFFE003, lr  }
0x1b: {  	s9 =	sadd.s32 $0xFFFFFEF7, lr;
	s5 =	simm.s32 $0xFFFFFFFF;
	p2 =	slt.u32 s8, $0xFFFFF086  }
0x1c: {  	p1 =	slt.u32 s9, $0xF7A;
	s5 =	simm.s32 @!p2 $0x0  }
0x1d: {  	s5 =	simm.s32 @p1 $0x1;
	p0 =	seq.s32 s7, s2  }
0x1e: {  	s7 =	smul.u32 @!p0 $0xF7A, s2;
	p2 =	seq.s32 @!p0 s5, $0x0  }
0x1f: {  	s9 =	smul.u32 $0xF7A, s1;
	s8 =	simm.s32 @!p0 $0x1BF5;
	p2 =	por !p2, p0  }
0x20: {  	[sflag:s8] =	ssyncset.s32 @!p0 $0xFFFFF086;
	s6 =	sadd.s32 @!p0 s3, s7;
	s7 =	simm.s32 @!p0 $0x108  }
0x21: {  	s3 =	sadd.s32 s3, s9;
	s6 =	sadd.s32 @!p0 $0x88, s6;
	s7 =	simm.s32 @p2 $0x1082  }
0x22: {  	[simem:s7], [sflag:s8] =	dma.local @!p0 [hbm:s6], $0xF7A  }
0x23: {  	s9 =	sor.u32 $0xD0000000, s2;
	s6 =	simm.s32 $0x108;
	_ =	swait.ge @!p0 [sflag:s8], $0x0  }
0x24: {  	s3 =	sadd.s32 $0x88, s3;
	s6 =	simm.s32 @!p1 $0x1082;
	[sflag:s4] =	ssyncset.s32 $0xFFFFF086  }
0x25: {  	[simem:s6], [sflag:s4] =	dma.local [hbm:s3], $0xF7A  }
0x26: {  	[smem:$0x3F96] =	sst s1;
	(tag) =	ssettag s2;
	_ =	strace s9  }
0x27: {  	s1 =	sld [smem:$0x3FA6]  }
0x28: {  	s2 =	sld [smem:$0x3FA7]  }
0x29: {  	s4 =	sld [smem:$0x3FA9]  }
0x2a: {  	p0 =	seq.s32 s5, $0x0;
	s5 =	sld [smem:$0x3FAA]  }
0x2b: {  	s6 =	sld [smem:$0x3FAB]  }
0x2c: {  	s7 =	sld [smem:$0x3FAC]  }
0x2d: {  	s3 =	simm.s32 $0x108;
	s8 =	sld [smem:$0x3FAD]  }
0x2e: {  	s3 =	simm.s32 @!p0 $0x1082;
	s9 =	sld [smem:$0x3FAE]  }
0x2f: {  	lr =	sadd.s32 s0, s3;
	s0 =	sld [smem:$0x3FA5]  }
0x30: {  	s3 =	sld [smem:$0x3FA8]  }
0x31: {  	[smem:$0x3FB1] =	sst s10  }
0x32: {  	s10 =	sld [smem:$0x3FAF];
	_ =	sdelay $0x3  }
0x33: {  	p0 =	seq.s32 s10, $0x1;
	s10 =	sld [smem:$0x3FB1];
	_ =	sdelay $0x3  }
0x34: {  	[smem:$0x3FB1] =	sst s10  }
0x35: {  	s10 =	sld [smem:$0x3FB0];
	_ =	sdelay $0x3  }
0x36: {  	p1 =	seq.s32 s10, $0x1;
	s10 =	sld [smem:$0x3FB1];
	_ =	sdelay $0x3  }
0x37: {  	[smem:$0x3FB1] =	sst s10  }
0x38: {  	s10 =	sld [smem:$0x3FB2]  }
0x39: {  	_ = 	snop;
	(pc) =	sbr.ind lr, $3  }
0x3a: {  	_ = 	snop  }
0x3b: {  	_ = 	snop  }
0x3c: {  	p2 =	seq.s32 s10, $0x1;
	s10 =	sld [smem:$0x3FB1]  }
0x3d: {  	_ =	shalt  }
0x3e: {  	_ =	shalt  }
0x3f: {  	_ =	shalt  }
0x40: {  	_ =	shalt  }
0x41: {  	_ =	shalt  }
0x42: {  	_ =	shalt  }
0x43: {  	_ =	shalt  }
0x44: {  	_ =	shalt  }
0x45: {  	_ =	shalt  }
0x46: {  	_ =	shalt  }
0x47: {  	_ =	shalt  }
0x48: {  	_ =	shalt  }
0x49: {  	_ =	shalt  }
0x4a: {  	_ =	shalt  }
0x4b: {  	_ =	shalt  }
0x4c: {  	_ =	shalt  }
0x4d: {  	_ =	shalt  }
0x4e: {  	_ =	shalt  }
0x4f: {  	_ =	shalt  }
0x50: {  	_ =	shalt  }
0x51: {  	_ =	shalt  }
0x52: {  	_ =	shalt  }
0x53: {  	_ =	shalt  }
0x54: {  	_ =	shalt  }
0x55: {  	_ =	shalt  }
0x56: {  	_ =	shalt  }
0x57: {  	_ =	shalt  }
0x58: {  	_ =	shalt  }
0x59: {  	_ =	shalt  }
0x5a: {  	_ =	shalt  }
0x5b: {  	_ =	shalt  }
0x5c: {  	_ =	shalt  }
0x5d: {  	_ =	shalt  }
0x5e: {  	_ =	shalt  }
0x5f: {  	_ =	shalt  }
0x60: {  	_ =	shalt  }
0x61: {  	_ =	shalt  }
0x62: {  	_ =	shalt  }
0x63: {  	_ =	shalt  }
0x64: {  	_ =	shalt  }
0x65: {  	_ =	shalt  }
0x66: {  	_ =	shalt  }
0x67: {  	_ =	shalt  }
0x68: {  	_ =	shalt  }
0x69: {  	_ =	shalt  }
0x6a: {  	_ =	shalt  }
0x6b: {  	_ =	shalt  }
0x6c: {  	_ =	shalt  }
0x6d: {  	_ =	shalt  }
0x6e: {  	_ =	shalt  }
0x6f: {  	_ =	shalt  }
0x70: {  	_ =	shalt  }
0x71: {  	_ =	shalt  }
0x72: {  	_ =	shalt  }
0x73: {  	_ =	shalt  }
0x74: {  	_ =	shalt  }
0x75: {  	_ =	shalt  }
0x76: {  	_ =	shalt  }
0x77: {  	_ =	shalt  }
0x78: {  	_ =	shalt  }
0x79: {  	_ =	shalt  }
0x7a: {  	_ =	shalt  }
0x7b: {  	_ =	shalt  }
0x7c: {  	_ =	shalt  }
0x7d: {  	_ =	shalt  }
0x7e: {  	_ =	shalt  }
0x7f: {  	_ =	shalt  }
0x80: {  	_ =	shalt  }
0x81: {  	_ =	shalt  }
0x82: {  	_ =	shalt  }
0x83: {  	_ =	shalt  }
0x84: {  	_ =	shalt  }
0x85: {  	_ =	shalt  }
0x86: {  	_ =	shalt  }
0x87: {  	_ =	shalt  }
.Lfunc_end0:
.L_simem_size_0:
called_computation.1_lowered:
.L_overlay_start_0:
0x88: {  	s2 =	sld [smem:$0x3FD9]  }
0x89: {  	s3 =	sld [smem:$0x3FFE];
	_ =	sdelay $0x1  }
0x8a: {  	s1 =	srdreg.scid  }
0x8b: {  	s0 =	sand.u32 $0x1, s1  }
0x8c: {  	s17 =	sshll.u32 s0, $0xA;
	s2 =	sadd.s32 s3, s2  }
0x8d: {  	s2 =	sadd.s32 s2, s17  }
0x8e: {  	[smem:$0x3FBD] =	sst s2  }
0x8f: {  	_ = 	snop  }
0x90: {  	s2 =	sld [smem:$0x3FC7]  }
0x91: {  	s18 =	sld [smem:$0x3FD0];
	(tm) =	ssettm $0x1  }
0x92: {  	s4 =	sld [smem:$0x3FFB];
	_ =	sdelay $0x3  }
0x93: {  	_ =	strace s4  }
0x94: {  	s4 =	sld [smem:$0x3FFC];
	_ =	sdelay $0x3  }
0x95: {  	_ =	strace s4  }
0x96: {  	s4 =	sld [smem:$0x3FFD];
	_ =	sdelay $0x3  }
0x97: {  	_ =	strace s4  }
0x98: {  	_ =	strace $0x8FFFFFFF  }
0x99: {  	s19 =	sld [smem:$0x3FDB];
	_ =	sdelay $0x1  }
0x9a: {  	s5 =	simm.s32 $_scs_section_size  }
0x9b: {  	s6 =	simm.s32 $_size__tile_overlayer_lowered;
	s7 =	simm.s32 $_tile_overlayer_lowered  }
0x9c: {  	s22 =	simm.s32 $0x1BFF;
	s21 =	sshll.u32 s7, $0x1;
	s4 =	sadd.s32 s5, s19  }
0x9d: {  	s8 =	simm.s32 $0x0;
	s20 =	sshll.u32 s6, $0x1;
	s6 =	sadd.s32 s21, s4  }
0x9e: {  	[timem:s8], [sflag:s22] =	dma.local [hbm:s6], s20  }
0x9f: {  	_ =	swait.ge [sflag:s22], s20  }
0xa0: {  	s5 =	ssub.s32 $0x0, s20;
	[sflag:s22] =	ssyncset.done $0x0  }
0xa1: {  	[sflag:s22] =	ssyncadd.s32 s5;
	_ =	sdelay $0x1  }
0xa2: {  	s23 =	simm.s32 $0x1B8B  }
0xa3: {  	_ =	swait.ge [sflag:s23], $0x1  }
0xa4: {  	[sflag:s23] =	ssyncset.done $0x0  }
0xa5: {  	s25 =	simm.s32 $0x1B8E;
	s24 =	sld [smem:$0x3FFE];
	[sflag:s23] =	ssyncadd.s32 $0xFFFFFFFF  }
0xa6: {  	s26 =	simm.s32 $execute0_lowered;
	[smem:$0x3FD2] =	sst s25  }
0xa7: {  	s6 =	sshll.u32 s26, $0x1;
	_ =	strace $0x80000049;
	[dreg:$0x1] =	wrdreg $0xFFFFFFFF  }
0xa8: {  	s28 =	simm.s32 $_size_execute0_lowered;
	s4 =	sadd.s32 s4, s6;
	[dreg:$0x0] =	wrdreg $0x0  }
0xa9: {  	s6 =	sshll.u32 s28, $0x1;
	[dreg:$0x2] =	wrdreg s4  }
0xaa: {  	[dreg:$0x3] =	wrdreg s6  }
0xab: {  	[dreg:$0x4] =	wrdreg $0xC0  }
0xac: {  	_ =	task [dreg:s8], $0x5FFFF  }
0xad: {  	[dreg:$0x1] =	wrdreg $0xFFFFFFFF  }
0xae: {  	[dreg:$0x0] =	wrdreg $0x60  }
0xaf: {  	[dreg:$0x2] =	wrdreg s24  }
0xb0: {  	[dreg:$0x3] =	wrdreg s2  }
0xb1: {  	[dreg:$0x4] =	wrdreg s18  }
0xb2: {  	[dreg:$0x5] =	wrdreg $0xAAA00  }
0xb3: {  	[dreg:$0x6] =	wrdreg $0xEAA00  }
0xb4: {  	[dreg:$0x7] =	wrdreg $0x9  }
0xb5: {  	_ =	task.clear_ibuf [dreg:s8], $0x8FFFF;
	_ =	strace $0x90000049  }
0xb6: {  	s29 =	simm.s32 $0x9;
	_ =	strace $0x8000004B  }
0xb7: {  	_ =	swait.ge [sflag:s29], $0x1  }
0xb8: {  	[sflag:s29] =	ssyncadd.s32 $0xFFFFFFFF  }
0xb9: {  	_ =	strace $0x9000004B  }
0xba: {  	_ =	sfence  }
0xbb: {  	s30 =	sld [smem:$0x0];
	_ =	sdelay $0x2  }
0xbc: {  	s31 =	sshll.u32 s1, $0xD;
	s1 =	sshrl.u32 s1, $0x2  }
0xbd: {  	s3 =	sand.u32 $0x4000, s31;
	s1 =	sadd.s32 s1, s30  }
0xbe: {  	s0 =	sor.u32 s3, s0;
	s1 =	sshll.u32 s1, $0x11  }
0xbf: {  	s0 =	sor.u32 s1, s0  }
0xc0: {  	s0 =	sadd.s32 $0x8F2B, s0  }
0xc1: {  	[sflag:s0] =	ssyncadd.remote.s32 $0x1  }
0xc2: {  	_ =	sfence.sel $0xFFFF  }
0xc3: {  	[dreg:$0x0] =	wrdreg $0xFFFFFFFF;
	(pc) =	sbr.abs _section_cstart, $3  }
0xc4: {  	[dreg:$0x1] =	wrdreg $0xFFFFFFFF  }
0xc5: {  	_ =	task.clear_ibuf [dreg:s8], $0x2FFFF;
	_ =	strace $0x9FFFFFFF  }
0xc6: {  	(tm) =	ssettm $0x7FFFFFFF  }
0xc7: {  	_ =	shalt  }
tec
execute0_lowered:
.L_overlay_start_1:
0x0: {  	(tag) =	ssettag $0x1  }
0x1: {  	s0 =	rddreg [dreg:$0x0]  }
0x2: {  	s1 =	rddreg [dreg:$0x1]  }
0x3: {  	s3 =	rddreg [dreg:$0x3]  }
0x4: {  	s4 =	rddreg [dreg:$0x4];
	s5 =	simm.s32 $0x0  }
0x5: {  	s20 =	srdreg.scid;
	s8 =	stileid.u32;
	s19 =	simm.s32 $0xA690  }
0x6: {  	s28 =	simm.s32 $0xA190;
	s29 =	simm.s32 $0xA140;
	s30 =	simm.s32 $0x50  }
0x7: {  	[smem:$0x7FF] =	sst s5;
	s6 =	sadd.s32 $0x1800, s0;
	s7 =	sadd.s32 $0x24BE00, s0  }
0x8: {  	s31 =	simm.s32 $0x4;
	s2 =	sadd.s32 $0x24BC00, s0;
	s9 =	sadd.s32 $0x188400, s0  }
0x9: {  	s21 =	sshll.u32 s8, $0x1;
	_ =	strace $0x8000004A;
	[dreg:$0x6] =	wrdreg s2  }
0xa: {  	s10 =	sadd.s32 $0x188600, s0;
	p0 =	sne.s32 s8, $0x0;
	[dreg:$0x7] =	wrdreg s9  }
0xb: {  	s2 =	sand.u32 $0x1, s20;
	[dreg:$0x8] =	wrdreg s10;
	s20 =	simm.s32 $0x3  }
0xc: {  	s22 =	sshll.u32 s2, $0xF;
	s9 =	sor.u32 s2, s21;
	s11 =	ssub.s32 $0x2, s2  }
0xd: {  	s2 =	sshll.u32 s2, $0xB;
	s21 =	simm.s32 $0x50A0;
	s12 =	smul.u32 $0xA00, s9  }
0xe: {  	s10 =	sadd.s32 s22, s0;
	s13 =	sshrl.u32 s11, $0x1;
	s14 =	smul.u32 $0xA, s9  }
0xf: {  	s0 =	sadd.s32 s2, s0;
	s18 =	sor.u32 $0x20, s9;
	s22 =	sshrl.u32 @!p0 s3, $0x3  }
0x10: {  	s2 =	simm.s32 $0xA0F0;
	s23 =	ssub.s32 s11, s13;
	s15 =	sadd.s32 $0x188E00, s10  }
.Ltmp0:
0x11: {  	v0 =	vlaneseq.u32;
	s16 =	sadd.s32 $0x198E00, s0;
	s24 =	sadd.s32 s6, s12;
	(pc) =	sbr.rel .LBB2_1-.Ltmp0, $4  }
0x12: {  	v0 =	vmul.u32 $0x10, v0;
	s0 =	simm.s32 $0x2;
	s25 =	sadd.s32 s7, s14;
	[dreg:$0x9] =	wrdreg s24  }
0x13: {  	s26 =	sadd.s32 s1, s14;
	s14 =	sor.u32 $0x40, s9;
	[dreg:$0xa] =	wrdreg s25  }
0x14: {  	v1 =	vimm.f32 $0.0e+00;
	v2 =	vor.u32 $0x100, v0;
	s17 =	smax.u32 s23, $0x1;
	s23 =	sshrl.u32 @!p0 s4, $0x3;
	[dreg:$0xb] =	wrdreg s26  }
0x15: {  	v3 =	vor.u32 $0x200, v0;
	v4 =	vor.u32 $0x300, v0;
	v5 =	vor.u32 $0x400, v0;
	s25 =	simm.s32 $0x5050;
	s26 =	simm.s32 $0x1;
	s24 =	simm.s32 $0x0  }
.LBB2_9:
0x16: {  	[bflag:$0x0] =	sbarrier.arrive $0xFFFF;
	s8 =	simm.s32 @!p0 $0x1C03;
	s9 =	simm.s32 @!p0 $0x3  }
0x17: {  	[hbm:s15], [sflag:s8] =	dma.local @!p0 [spmem:s22], $0x8000  }
0x18: {  	s24 =	sadd.s32 $0x1, s24;
	_ =	swait.ge @!p0 [sflag:s9], $0x8000  }
0x19: {  	p1 =	sne.s32 s24, s17;
	[sflag:s9] =	ssyncset.done @!p0 $0x0  }
.Ltmp1:
0x1a: {  	[sflag:s9] =	ssyncadd.s32 @!p0 $0xFFFF8000;
	(pc) =	sbr.rel @!p1 .LBB2_10-.Ltmp1, $4  }
0x1b: {  	[hbm:s16], [sflag:s8] =	dma.local @!p0 [spmem:s23], $0x800  }
0x1c: {  	_ =	swait.ge @!p0 [sflag:s9], $0x800  }
0x1d: {  	[sflag:s9] =	ssyncset.done @!p0 $0x0  }
0x1e: {  	[sflag:s9] =	ssyncadd.s32 @!p0 $0xFFFFF800  }
.LBB2_1:
0x1f: {  	s8 =	rddreg [dreg:$0x6]  }
0x20: {  	[tilespmem:s19], [sflag:$0x3] =	stream.linear.gather [hbm4b:s8+s5], $0x400, $0x38;
	[tilespmem:$0xEEA0] =	vst v63  }
0x21: {  	_ =	swait.ge [sflag:s20], $0x400  }
0x22: {  	[sflag:s20] =	ssyncset.done $0x0  }
0x23: {  	s9 =	simm.s32 $0xAA90;
	s13 =	rddreg [dreg:$0x7];
	[sflag:s20] =	ssyncadd.s32 $0xFFFFFC00  }
0x24: {  	[tilespmem:s9], [sflag:$0x3] =	stream.linear.gather [hbm4b:s13+s5], $0x10, $0x38;
	[tilespmem:$0xEEA0] =	vst v63  }
0x25: {  	_ =	swait.ge [sflag:s20], $0x10  }
0x26: {  	[sflag:s20] =	ssyncset.done $0x0  }
0x27: {  	[sflag:s20] =	ssyncadd.s32 $0xFFFFFFF0  }
0x28: {  	[tilespmem:$0xA190] =	vst v1  }
0x29: {  	[tilespmem:$0xA1A0] =	vst v1  }
0x2a: {  	[tilespmem:$0xA1B0] =	vst v1  }
0x2b: {  	[tilespmem:$0xA1C0] =	vst v1  }
0x2c: {  	[tilespmem:$0xA1D0] =	vst v1  }
0x2d: {  	[tilespmem:$0xA1E0] =	vst v1  }
0x2e: {  	[tilespmem:$0xA1F0] =	vst v1  }
0x2f: {  	[tilespmem:$0xA200] =	vst v1  }
0x30: {  	[tilespmem:$0xA210] =	vst v1  }
0x31: {  	[tilespmem:$0xA220] =	vst v1  }
0x32: {  	[tilespmem:$0xA230] =	vst v1  }
0x33: {  	[tilespmem:$0xA240] =	vst v1  }
0x34: {  	[tilespmem:$0xA250] =	vst v1  }
0x35: {  	[tilespmem:$0xA260] =	vst v1  }
0x36: {  	[tilespmem:$0xA270] =	vst v1  }
0x37: {  	[tilespmem:$0xA280] =	vst v1  }
0x38: {  	[tilespmem:$0xA290] =	vst v1  }
0x39: {  	[tilespmem:$0xA2A0] =	vst v1  }
0x3a: {  	[tilespmem:$0xA2B0] =	vst v1  }
0x3b: {  	[tilespmem:$0xA2C0] =	vst v1  }
0x3c: {  	[tilespmem:$0xA2D0] =	vst v1  }
0x3d: {  	[tilespmem:$0xA2E0] =	vst v1  }
0x3e: {  	[tilespmem:$0xA2F0] =	vst v1  }
0x3f: {  	[tilespmem:$0xA300] =	vst v1  }
0x40: {  	[tilespmem:$0xA310] =	vst v1  }
0x41: {  	[tilespmem:$0xA320] =	vst v1  }
0x42: {  	[tilespmem:$0xA330] =	vst v1  }
0x43: {  	[tilespmem:$0xA340] =	vst v1  }
0x44: {  	[tilespmem:$0xA350] =	vst v1  }
0x45: {  	[tilespmem:$0xA360] =	vst v1  }
0x46: {  	[tilespmem:$0xA370] =	vst v1  }
0x47: {  	[tilespmem:$0xA380] =	vst v1  }
0x48: {  	[tilespmem:$0xA390] =	vst v1  }
0x49: {  	[tilespmem:$0xA3A0] =	vst v1  }
0x4a: {  	[tilespmem:$0xA3B0] =	vst v1  }
0x4b: {  	[tilespmem:$0xA3C0] =	vst v1  }
0x4c: {  	[tilespmem:$0xA3D0] =	vst v1  }
0x4d: {  	[tilespmem:$0xA3E0] =	vst v1  }
0x4e: {  	[tilespmem:$0xA3F0] =	vst v1  }
0x4f: {  	[tilespmem:$0xA400] =	vst v1  }
0x50: {  	[tilespmem:$0xA410] =	vst v1  }
0x51: {  	[tilespmem:$0xA420] =	vst v1  }
0x52: {  	[tilespmem:$0xA430] =	vst v1  }
0x53: {  	[tilespmem:$0xA440] =	vst v1  }
0x54: {  	[tilespmem:$0xA450] =	vst v1  }
0x55: {  	[tilespmem:$0xA460] =	vst v1  }
0x56: {  	[tilespmem:$0xA470] =	vst v1  }
0x57: {  	[tilespmem:$0xA480] =	vst v1  }
0x58: {  	[tilespmem:$0xA490] =	vst v1  }
0x59: {  	[tilespmem:$0xA4A0] =	vst v1  }
0x5a: {  	[tilespmem:$0xA4B0] =	vst v1  }
0x5b: {  	[tilespmem:$0xA4C0] =	vst v1  }
0x5c: {  	[tilespmem:$0xA4D0] =	vst v1  }
0x5d: {  	[tilespmem:$0xA4E0] =	vst v1  }
0x5e: {  	[tilespmem:$0xA4F0] =	vst v1  }
0x5f: {  	[tilespmem:$0xA500] =	vst v1  }
0x60: {  	[tilespmem:$0xA510] =	vst v1  }
0x61: {  	[tilespmem:$0xA520] =	vst v1  }
0x62: {  	[tilespmem:$0xA530] =	vst v1  }
0x63: {  	[tilespmem:$0xA540] =	vst v1  }
0x64: {  	[tilespmem:$0xA550] =	vst v1  }
0x65: {  	[tilespmem:$0xA560] =	vst v1  }
0x66: {  	[tilespmem:$0xA570] =	vst v1  }
0x67: {  	[tilespmem:$0xA580] =	vst v1  }
0x68: {  	[tilespmem:$0xA590] =	vst v1  }
0x69: {  	[tilespmem:$0xA5A0] =	vst v1  }
0x6a: {  	[tilespmem:$0xA5B0] =	vst v1  }
0x6b: {  	[tilespmem:$0xA5C0] =	vst v1  }
0x6c: {  	[tilespmem:$0xA5D0] =	vst v1  }
0x6d: {  	[tilespmem:$0xA5E0] =	vst v1  }
0x6e: {  	[tilespmem:$0xA5F0] =	vst v1  }
0x6f: {  	[tilespmem:$0xA600] =	vst v1  }
0x70: {  	[tilespmem:$0xA610] =	vst v1  }
0x71: {  	[tilespmem:$0xA620] =	vst v1  }
0x72: {  	[tilespmem:$0xA630] =	vst v1  }
0x73: {  	[tilespmem:$0xA640] =	vst v1  }
0x74: {  	[tilespmem:$0xA650] =	vst v1  }
0x75: {  	[tilespmem:$0xA660] =	vst v1  }
0x76: {  	[tilespmem:$0xA670] =	vst v1  }
0x77: {  	s8 =	simm.s32 @!p0 $0x1C03;
	[tilespmem:$0xA680] =	vst v1;
	s9 =	rddreg [dreg:$0x2]  }
0x78: {  	[spmem:s22], [sflag:s8] =	dma.local @!p0 [hbm:s9], $0x8000  }
0x79: {  	s9 =	simm.s32 @!p0 $0x3  }
0x7a: {  	_ =	swait.ge @!p0 [sflag:s9], $0x8000  }
0x7b: {  	[sflag:s9] =	ssyncset.done @!p0 $0x0  }
0x7c: {  	s10 =	rddreg [dreg:$0x8];
	[sflag:s9] =	ssyncadd.s32 @!p0 $0xFFFF8000  }
0x7d: {  	[spmem:s23], [sflag:s8] =	dma.local @!p0 [hbm:s10], $0x800  }
0x7e: {  	_ =	swait.ge @!p0 [sflag:s9], $0x800  }
0x7f: {  	[sflag:s9] =	ssyncset.done @!p0 $0x0  }
0x80: {  	[sflag:s9] =	ssyncadd.s32 @!p0 $0xFFFFF800  }
0x81: {  	[bflag:$0x0] =	sbarrier.arrive $0xFFFF  }
0x82: {  	s10 =	rddreg [dreg:$0x9]  }
0x83: {  	v7 =	vld [tilespmem:$0xAA90];
	[tilespmem:s5], [sflag:$0x1] =	stream.linear.gather [hbm4b:s10+s5], $0x5000, $0x38  }
.Ltmp2:
0x84: {  	_ = 	snop;
	(pc) =	sbr.rel .LBB2_2-.Ltmp2, $4  }
0x85: {  	s12 =	simm.s32 $0x5000;
	s11 =	rddreg [dreg:$0xa]  }
0x86: {  	[tilespmem:s12], [sflag:$0x1] =	stream.linear.gather [hbm4b:s11+s5], $0x50, $0x38;
	[tilespmem:$0xEEA0] =	vst v63  }
0x87: {  	s8 =	simm.s32 $0x0;
	s13 =	rddreg [dreg:$0xb]  }
0x88: {  	[tilespmem:s25], [sflag:$0x1] =	stream.linear.gather [hbm4b:s13+s5], $0x50, $0x38;
	v6 =	vbroadcast v7, $0x0;
	v7 =	vbroadcast v7, $0x1;
	[tilespmem:$0xEEA0] =	vst v63  }
.LBB2_8:
0x89: {  	s8 =	sadd.s32 $0x1, s8  }
0x8a: {  	p1 =	sne.s32 s8, $0xA  }
.Ltmp3:
0x8b: {  	_ = 	snop;
	(pc) =	sbr.rel @!p1 .LBB2_9-.Ltmp3, $1  }
0x8c: {  	_ =	sdelay $0x3  }
.LBB2_2:
0x8d: {  	s10 =	sshll.u32 s8, $0x6  }
0x8e: {  	s9 =	sor.u32 s18, s10  }
0x8f: {  	p1 =	sgt.u32 s9, $0x270  }
0x90: {  	s11 =	smul.u32 @!p1 $0xA00, s9  }
0x91: {  	s12 =	simm.s32 @!p1 $0x0  }
0x92: {  	s13 =	simm.s32 @!p1 $0x50A0;
	s9 =	smul.u32 @!p1 $0xA, s9;
	s11 =	sadd.s32 @!p1 s6, s11  }
0x93: {  	[tilespmem:s13], [sflag:$0x2] =	stream.linear.gather @!p1 [hbm4b:s11+s12], $0x5000, $0x38;
	[tilespmem:$0xEEA0] =	vst v63  }
0x94: {  	s11 =	sadd.s32 @!p1 s7, s9;
	s13 =	simm.s32 @!p1 $0xA0A0  }
0x95: {  	[tilespmem:s13], [sflag:$0x2] =	stream.linear.gather @!p1 [hbm4b:s11+s12], $0x50, $0x38;
	[tilespmem:$0xEEA0] =	vst v63  }
0x96: {  	s9 =	sadd.s32 @!p1 s1, s9;
	s11 =	simm.s32 @!p1 $0xA0F0  }
0x97: {  	[tilespmem:s11], [sflag:$0x2] =	stream.linear.gather @!p1 [hbm4b:s9+s12], $0x50, $0x38;
	[tilespmem:$0xEEA0] =	vst v63  }
0x98: {  	_ =	swait.ge [sflag:s26], $0x5000  }
0x99: {  	[sflag:s26] =	ssyncset.done $0x0  }
0x9a: {  	[sflag:s26] =	ssyncadd.s32 $0xFFFFB000  }
0x9b: {  	_ =	swait.ge [sflag:s26], $0x50  }
0x9c: {  	[sflag:s26] =	ssyncset.done $0x0  }
0x9d: {  	[sflag:s26] =	ssyncadd.s32 $0xFFFFFFB0  }
0x9e: {  	_ =	swait.ge [sflag:s26], $0x50  }
0x9f: {  	[sflag:s26] =	ssyncset.done $0x0  }
0xa0: {  	[sflag:s26] =	ssyncadd.s32 $0xFFFFFFB0  }
0xa1: {  	v8 =	vld [tilespmem:$0x5050];
	_ =	sdelay $0x6  }
0xa2: {  	v9 =	vld [tilespmem:$0x5000]  }
0xa3: {  	v8 =	vld.idx.msk [tilespmem:v8+s19+$0x0], $0xffff;
	_ =	sdelay $0x4  }
0xa4: {  	v8 =	vadd.f32 v8, v9;
	_ =	sdelay $0x1  }
0xa5: {  	v8 =	vadd.f32 v8, v6;
	_ =	sdelay $0x1  }
0xa6: {  	v9 =	vmul.f32 $9.999999770e-03, v8  }
0xa7: {  	vm0 =	vgt.f32 v8, $0.0e+00  }
0xa8: {  	v8 =	vsel vm0, v8, v9  }
0xa9: {  	v8 =	vsub.f32 v8, v7;
	_ =	sdelay $0x1  }
0xaa: {  	v8 =	vmul.f32 $1.442695020e+00, v8;
	_ =	sdelay $0x1  }
0xab: {  	(erf) = vpow2.f32 v8;
	_ =	sdelay $0x8  }
0xac: {  	v8 =	vpop (erf)  }
0xad: {  	[tilespmem:$0xA140] =	vst v8  }
0xae: {  	[tilespmem:v0+s28+$0x0] =	vst.idx.msk $0xffff, v8  }
0xaf: {  	v8 =	vld [tilespmem:$0x5060];
	_ =	sdelay $0x6  }
0xb0: {  	v9 =	vld [tilespmem:$0x5010]  }
0xb1: {  	v8 =	vld.idx.msk [tilespmem:v8+s19+$0x0], $0xffff;
	_ =	sdelay $0x4  }
0xb2: {  	v8 =	vadd.f32 v8, v9;
	_ =	sdelay $0x1  }
0xb3: {  	v8 =	vadd.f32 v8, v6;
	_ =	sdelay $0x1  }
0xb4: {  	v9 =	vmul.f32 $9.999999770e-03, v8  }
0xb5: {  	vm12 =	vgt.f32 v8, $0.0e+00  }
0xb6: {  	v8 =	vsel vm12, v8, v9  }
0xb7: {  	v8 =	vsub.f32 v8, v7;
	_ =	sdelay $0x1  }
0xb8: {  	v8 =	vmul.f32 $1.442695020e+00, v8;
	_ =	sdelay $0x1  }
0xb9: {  	(erf) = vpow2.f32 v8;
	_ =	sdelay $0x8  }
0xba: {  	v8 =	vpop (erf)  }
0xbb: {  	[tilespmem:$0xA150] =	vst v8  }
0xbc: {  	[tilespmem:v2+s28+$0x0] =	vst.idx.msk $0xffff, v8  }
0xbd: {  	v8 =	vld [tilespmem:$0x5070];
	_ =	sdelay $0x6  }
0xbe: {  	v9 =	vld [tilespmem:$0x5020]  }
0xbf: {  	v8 =	vld.idx.msk [tilespmem:v8+s19+$0x0], $0xffff;
	_ =	sdelay $0x4  }
0xc0: {  	v8 =	vadd.f32 v8, v9;
	_ =	sdelay $0x1  }
0xc1: {  	v8 =	vadd.f32 v8, v6;
	_ =	sdelay $0x1  }
0xc2: {  	v9 =	vmul.f32 $9.999999770e-03, v8  }
0xc3: {  	vm13 =	vgt.f32 v8, $0.0e+00  }
0xc4: {  	v8 =	vsel vm13, v8, v9  }
0xc5: {  	v8 =	vsub.f32 v8, v7;
	_ =	sdelay $0x1  }
0xc6: {  	v8 =	vmul.f32 $1.442695020e+00, v8;
	_ =	sdelay $0x1  }
0xc7: {  	(erf) = vpow2.f32 v8;
	_ =	sdelay $0x8  }
0xc8: {  	v8 =	vpop (erf)  }
0xc9: {  	[tilespmem:$0xA160] =	vst v8  }
0xca: {  	[tilespmem:v3+s28+$0x0] =	vst.idx.msk $0xffff, v8  }
0xcb: {  	v8 =	vld [tilespmem:$0x5080];
	_ =	sdelay $0x6  }
0xcc: {  	v9 =	vld [tilespmem:$0x5030]  }
0xcd: {  	v8 =	vld.idx.msk [tilespmem:v8+s19+$0x0], $0xffff;
	_ =	sdelay $0x4  }
0xce: {  	v8 =	vadd.f32 v8, v9;
	_ =	sdelay $0x1  }
0xcf: {  	v8 =	vadd.f32 v8, v6;
	_ =	sdelay $0x1  }
0xd0: {  	v9 =	vmul.f32 $9.999999770e-03, v8  }
0xd1: {  	vm14 =	vgt.f32 v8, $0.0e+00  }
0xd2: {  	v8 =	vsel vm14, v8, v9  }
0xd3: {  	v8 =	vsub.f32 v8, v7;
	_ =	sdelay $0x1  }
0xd4: {  	v8 =	vmul.f32 $1.442695020e+00, v8;
	_ =	sdelay $0x1  }
0xd5: {  	(erf) = vpow2.f32 v8;
	_ =	sdelay $0x8  }
0xd6: {  	v8 =	vpop (erf)  }
0xd7: {  	[tilespmem:$0xA170] =	vst v8  }
0xd8: {  	[tilespmem:v4+s28+$0x0] =	vst.idx.msk $0xffff, v8  }
0xd9: {  	v8 =	vld [tilespmem:$0x5090];
	_ =	sdelay $0x6  }
0xda: {  	v9 =	vld [tilespmem:$0x5040]  }
0xdb: {  	v8 =	vld.idx.msk [tilespmem:v8+s19+$0x0], $0xffff;
	_ =	sdelay $0x4  }
0xdc: {  	v8 =	vadd.f32 v8, v9;
	_ =	sdelay $0x1  }
0xdd: {  	v8 =	vadd.f32 v8, v6;
	_ =	sdelay $0x1  }
0xde: {  	v9 =	vmul.f32 $9.999999770e-03, v8  }
0xdf: {  	vm15 =	vgt.f32 v8, $0.0e+00  }
0xe0: {  	v8 =	vsel vm15, v8, v9  }
0xe1: {  	v8 =	vsub.f32 v8, v7;
	_ =	sdelay $0x1  }
0xe2: {  	v8 =	vmul.f32 $1.442695020e+00, v8;
	_ =	sdelay $0x1  }
0xe3: {  	(erf) = vpow2.f32 v8;
	_ =	sdelay $0x8  }
0xe4: {  	v8 =	vpop (erf)  }
0xe5: {  	[tilespmem:$0xA180] =	vst v8  }
0xe6: {  	s9 =	simm.s32 $0x80;
	[tilespmem:v5+s28+$0x0] =	vst.idx.msk $0xffff, v8  }
0xe7: {  	v8 =	vld [tilespmem:s9+$0xFFFFFFF0]  }
0xe8: {  	v20 =	vld [tilespmem:s9+$0x70]  }
0xe9: {  	v9 =	vld [tilespmem:s9+$0x60]  }
0xea: {  	s13 =	simm.s32 $0x0;
	v10 =	vld [tilespmem:s9+$0x20]  }
0xeb: {  	v11 =	vmov s13;
	v12 =	vld [tilespmem:s9+$0x10]  }
0xec: {  	v15 =	vld [tilespmem:s9+$0x30]  }
0xed: {  	v23 =	vld [tilespmem:s9+$0x50]  }
0xee: {  	v16 =	vld [tilespmem:s9+$0xFFFFFF80]  }
0xef: {  	v14 =	vld [tilespmem:s9+$0x0]  }
0xf0: {  	v11 =	vld.idx.msk [tilespmem:v11+s29+$0x0], $0xffff  }
0xf1: {  	v21 =	vld [tilespmem:s9+$0xFFFFFFA0]  }
0xf2: {  	v13 =	vld [tilespmem:s9+$0xFFFFFFD0]  }
0xf3: {  	v19 =	vld [tilespmem:s9+$0xFFFFFF90]  }
0xf4: {  	v17 =	vld [tilespmem:s9+$0xFFFFFFB0]  }
0xf5: {  	v18 =	vld [tilespmem:s9+$0x40]  }
0xf6: {  	v22 =	vmul.f32 v16, v11;
	v16 =	vld [tilespmem:s9+$0xFFFFFFC0];
	v24 =	vmul.f32 v20, v11  }
0xf7: {  	s10 =	sadd.s32 s14, s10;
	s11 =	simm.s32 $0x1;
	s12 =	simm.s32 $0x80;
	v20 =	vmul.f32 v21, v11;
	v21 =	vld [tilespmem:s9+$0xFFFFFFE0];
	v23 =	vmul.f32 v23, v11  }
.LBB2_3:
0xf8: {  	p2 =	sne.s32 s11, $0x4F  }
0xf9: {  	v19 =	vmul.f32 v19, v11;
	v15 =	vmul.f32 v15, v11;
	[tilespmem:s9+$0x70] =	vst v24;
	s12 =	sadd.s32 $0x100, s12;
	s13 =	smov.u32 s11;
	s11 =	sadd.s32 $0x1, s11  }
0xfa: {  	v12 =	vmul.f32 v12, v11;
	[tilespmem:s9+$0xFFFFFF80] =	vst v22;
	v17 =	vmul.f32 v17, v11  }
0xfb: {  	v14 =	vmul.f32 v14, v11;
	v18 =	vmul.f32 v18, v11;
	[tilespmem:s9+$0x50] =	vst v23  }
0xfc: {  	v13 =	vmul.f32 v13, v11;
	v16 =	vmul.f32 v16, v11;
	[tilespmem:s9+$0x30] =	vst v15  }
0xfd: {  	v15 =	vmul.f32 v21, v11;
	v21 =	vmul.f32 v8, v11;
	[tilespmem:s9+$0x10] =	vst v12  }
0xfe: {  	v10 =	vmul.f32 v10, v11;
	v9 =	vmul.f32 v9, v11;
	[tilespmem:s9+$0xFFFFFFA0] =	vst v20  }
0xff: {  	[tilespmem:s9+$0x0] =	vst v14  }
0x100: {  	v8 =	vld [tilespmem:s12+$0xFFFFFFF0];
	[tilespmem:s9+$0xFFFFFFE0] =	vst v15  }
0x101: {  	v20 =	vld [tilespmem:s12+$0x70];
	[tilespmem:s9+$0x60] =	vst v9  }
0x102: {  	v9 =	vld [tilespmem:s12+$0x60];
	[tilespmem:s9+$0x20] =	vst v10  }
0x103: {  	v10 =	vld [tilespmem:s12+$0x20];
	[tilespmem:s9+$0xFFFFFFD0] =	vst v13  }
0x104: {  	v11 =	vmov s13;
	v12 =	vld [tilespmem:s12+$0x10];
	[tilespmem:s9+$0xFFFFFF90] =	vst v19  }
0x105: {  	v15 =	vld [tilespmem:s12+$0x30];
	[tilespmem:s9+$0xFFFFFFF0] =	vst v21  }
0x106: {  	v23 =	vld [tilespmem:s12+$0x50];
	[tilespmem:s9+$0x40] =	vst v18  }
0x107: {  	v21 =	vld [tilespmem:s12+$0xFFFFFF80];
	[tilespmem:s9+$0xFFFFFFB0] =	vst v17  }
0x108: {  	v14 =	vld [tilespmem:s12+$0x0];
	[tilespmem:s9+$0xFFFFFFC0] =	vst v16;
	s9 =	smov.u32 s12  }
0x109: {  	v11 =	vld.idx.msk [tilespmem:v11+s29+$0x0], $0xffff  }
0x10a: {  	v25 =	vld [tilespmem:s12+$0xFFFFFFA0]  }
0x10b: {  	v13 =	vld [tilespmem:s12+$0xFFFFFFD0]  }
.Ltmp4:
0x10c: {  	v19 =	vld [tilespmem:s12+$0xFFFFFF90];
	(pc) =	sbr.rel @p2 .LBB2_3-.Ltmp4, $4  }
0x10d: {  	v17 =	vld [tilespmem:s12+$0xFFFFFFB0]  }
0x10e: {  	v18 =	vld [tilespmem:s12+$0x40]  }
0x10f: {  	v22 =	vmul.f32 v21, v11;
	v24 =	vmul.f32 v20, v11;
	v16 =	vld [tilespmem:s12+$0xFFFFFFC0]  }
0x110: {  	v23 =	vmul.f32 v23, v11;
	v20 =	vmul.f32 v25, v11;
	v21 =	vld [tilespmem:s12+$0xFFFFFFE0]  }
0x111: {  	[tilespmem:s9+$0x70] =	vst v24  }
0x112: {  	[tilespmem:s9+$0xFFFFFF80] =	vst v22  }
0x113: {  	v15 =	vmul.f32 v15, v11;
	[tilespmem:s9+$0x50] =	vst v23  }
0x114: {  	v12 =	vmul.f32 v12, v11;
	[tilespmem:s9+$0xFFFFFFA0] =	vst v20  }
0x115: {  	v14 =	vmul.f32 v14, v11;
	[tilespmem:s9+$0x30] =	vst v15  }
0x116: {  	v9 =	vmul.f32 v9, v11;
	[tilespmem:s9+$0x10] =	vst v12  }
0x117: {  	v10 =	vmul.f32 v10, v11;
	[tilespmem:s9+$0x0] =	vst v14  }
0x118: {  	v60 =	vmul.f32 v13, v11;
	[tilespmem:s9+$0x60] =	vst v9  }
0x119: {  	v61 =	vmul.f32 v19, v11;
	[tilespmem:s9+$0x20] =	vst v10  }
0x11a: {  	v8 =	vmul.f32 v8, v11;
	[tilespmem:s9+$0xFFFFFFD0] =	vst v60  }
0x11b: {  	v63 =	vmul.f32 v17, v11;
	[tilespmem:s9+$0xFFFFFF90] =	vst v61  }
0x11c: {  	v62 =	vmul.f32 v18, v11;
	[tilespmem:s9+$0xFFFFFFF0] =	vst v8  }
0x11d: {  	v8 =	vmul.f32 v16, v11;
	[tilespmem:s9+$0xFFFFFFB0] =	vst v63  }
0x11e: {  	v59 =	vmul.f32 v21, v11;
	[tilespmem:s9+$0x40] =	vst v62  }
0x11f: {  	[tilespmem:s9+$0xFFFFFFC0] =	vst v8  }
0x120: {  	[tilespmem:s9+$0xFFFFFFE0] =	vst v59  }
0x121: {  	[spmem:s3] =	stream.indirect.scatter.add.f32 [tilespmem:s5], [sflag:$0x4], $0x100, s25, s30, $0xb8;
	[tilespmem:$0xEEA0] =	vst v63  }
0x122: {  	_ =	swait.ge [sflag:s31], $0x5000  }
0x123: {  	[sflag:s31] =	ssyncset.done $0x0  }
0x124: {  	p2 =	sgt.u32 s10, $0x270;
	[sflag:s31] =	ssyncadd.s32 $0xFFFFB000  }
0x125: {  	[spmem:s4] =	stream.indirect.scatter.add.f32 [tilespmem:s28], [sflag:$0x4], $0x10, s25, s30, $0xb8;
	[tilespmem:$0xEEA0] =	vst v63  }
0x126: {  	s9 =	smul.u32 @!p2 $0xA00, s10;
	_ =	swait.ge [sflag:s31], $0x500  }
0x127: {  	s11 =	simm.s32 @!p2 $0x0;
	[sflag:s31] =	ssyncset.done $0x0  }
0x128: {  	s10 =	smul.u32 @!p2 $0xA, s10;
	s9 =	sadd.s32 @!p2 s6, s9;
	[sflag:s31] =	ssyncadd.s32 $0xFFFFFB00  }
0x129: {  	[tilespmem:s11], [sflag:$0x1] =	stream.linear.gather @!p2 [hbm4b:s9+s11], $0x5000, $0x38;
	[tilespmem:$0xEEA0] =	vst v63  }
.Ltmp5:
0x12a: {  	_ = 	snop;
	(pc) =	sbr.rel @p1 .LBB2_8-.Ltmp5, $4  }
0x12b: {  	s12 =	simm.s32 @!p2 $0x5000;
	s9 =	sadd.s32 @!p2 s7, s10  }
0x12c: {  	[tilespmem:s12], [sflag:$0x1] =	stream.linear.gather @!p2 [hbm4b:s9+s11], $0x50, $0x38;
	[tilespmem:$0xEEA0] =	vst v63  }
0x12d: {  	s9 =	sadd.s32 @!p2 s1, s10;
	s10 =	simm.s32 @!p2 $0x5050  }
0x12e: {  	[tilespmem:s10], [sflag:$0x1] =	stream.linear.gather @!p2 [hbm4b:s9+s11], $0x50, $0x38;
	[tilespmem:$0xEEA0] =	vst v63  }
0x12f: {  	_ =	swait.ge [sflag:s0], $0x5000  }
0x130: {  	[sflag:s0] =	ssyncset.done $0x0  }
0x131: {  	[sflag:s0] =	ssyncadd.s32 $0xFFFFB000  }
0x132: {  	_ =	swait.ge [sflag:s0], $0x50  }
0x133: {  	[sflag:s0] =	ssyncset.done $0x0  }
0x134: {  	[sflag:s0] =	ssyncadd.s32 $0xFFFFFFB0  }
0x135: {  	_ =	swait.ge [sflag:s0], $0x50  }
0x136: {  	[sflag:s0] =	ssyncset.done $0x0  }
0x137: {  	[sflag:s0] =	ssyncadd.s32 $0xFFFFFFB0  }
0x138: {  	v8 =	vld [tilespmem:$0xA0F0];
	_ =	sdelay $0x6  }
0x139: {  	v9 =	vld [tilespmem:$0xA0A0]  }
0x13a: {  	v8 =	vld.idx.msk [tilespmem:v8+s19+$0x0], $0xffff;
	_ =	sdelay $0x4  }
0x13b: {  	v8 =	vadd.f32 v8, v9;
	_ =	sdelay $0x1  }
0x13c: {  	v8 =	vadd.f32 v8, v6;
	_ =	sdelay $0x1  }
0x13d: {  	v9 =	vmul.f32 $9.999999770e-03, v8  }
0x13e: {  	vm0 =	vgt.f32 v8, $0.0e+00  }
0x13f: {  	v8 =	vsel vm0, v8, v9  }
0x140: {  	v8 =	vsub.f32 v8, v7;
	_ =	sdelay $0x1  }
0x141: {  	v8 =	vmul.f32 $1.442695020e+00, v8;
	_ =	sdelay $0x1  }
0x142: {  	(erf) = vpow2.f32 v8;
	_ =	sdelay $0x8  }
0x143: {  	v8 =	vpop (erf)  }
0x144: {  	[tilespmem:$0xA140] =	vst v8  }
0x145: {  	[tilespmem:v0+s28+$0x0] =	vst.idx.msk $0xffff, v8  }
0x146: {  	v8 =	vld [tilespmem:$0xA100];
	_ =	sdelay $0x6  }
0x147: {  	v9 =	vld [tilespmem:$0xA0B0]  }
0x148: {  	v8 =	vld.idx.msk [tilespmem:v8+s19+$0x0], $0xffff;
	_ =	sdelay $0x4  }
0x149: {  	v8 =	vadd.f32 v8, v9;
	_ =	sdelay $0x1  }
0x14a: {  	v8 =	vadd.f32 v8, v6;
	_ =	sdelay $0x1  }
0x14b: {  	v9 =	vmul.f32 $9.999999770e-03, v8  }
0x14c: {  	vm12 =	vgt.f32 v8, $0.0e+00  }
0x14d: {  	v8 =	vsel vm12, v8, v9  }
0x14e: {  	v8 =	vsub.f32 v8, v7;
	_ =	sdelay $0x1  }
0x14f: {  	v8 =	vmul.f32 $1.442695020e+00, v8;
	_ =	sdelay $0x1  }
0x150: {  	(erf) = vpow2.f32 v8;
	_ =	sdelay $0x8  }
0x151: {  	v8 =	vpop (erf)  }
0x152: {  	[tilespmem:$0xA150] =	vst v8  }
0x153: {  	[tilespmem:v2+s28+$0x0] =	vst.idx.msk $0xffff, v8  }
0x154: {  	v8 =	vld [tilespmem:$0xA110];
	_ =	sdelay $0x6  }
0x155: {  	v9 =	vld [tilespmem:$0xA0C0]  }
0x156: {  	v8 =	vld.idx.msk [tilespmem:v8+s19+$0x0], $0xffff;
	_ =	sdelay $0x4  }
0x157: {  	v8 =	vadd.f32 v8, v9;
	_ =	sdelay $0x1  }
0x158: {  	v8 =	vadd.f32 v8, v6;
	_ =	sdelay $0x1  }
0x159: {  	v9 =	vmul.f32 $9.999999770e-03, v8  }
0x15a: {  	vm13 =	vgt.f32 v8, $0.0e+00  }
0x15b: {  	v8 =	vsel vm13, v8, v9  }
0x15c: {  	v8 =	vsub.f32 v8, v7;
	_ =	sdelay $0x1  }
0x15d: {  	v8 =	vmul.f32 $1.442695020e+00, v8;
	_ =	sdelay $0x1  }
0x15e: {  	(erf) = vpow2.f32 v8;
	_ =	sdelay $0x8  }
0x15f: {  	v8 =	vpop (erf)  }
0x160: {  	[tilespmem:$0xA160] =	vst v8  }
0x161: {  	[tilespmem:v3+s28+$0x0] =	vst.idx.msk $0xffff, v8  }
0x162: {  	v8 =	vld [tilespmem:$0xA120];
	_ =	sdelay $0x6  }
0x163: {  	v9 =	vld [tilespmem:$0xA0D0]  }
0x164: {  	v8 =	vld.idx.msk [tilespmem:v8+s19+$0x0], $0xffff;
	_ =	sdelay $0x4  }
0x165: {  	v8 =	vadd.f32 v8, v9;
	_ =	sdelay $0x1  }
0x166: {  	v8 =	vadd.f32 v8, v6;
	_ =	sdelay $0x1  }
0x167: {  	v9 =	vmul.f32 $9.999999770e-03, v8  }
0x168: {  	vm14 =	vgt.f32 v8, $0.0e+00  }
0x169: {  	v8 =	vsel vm14, v8, v9  }
0x16a: {  	v8 =	vsub.f32 v8, v7;
	_ =	sdelay $0x1  }
0x16b: {  	v8 =	vmul.f32 $1.442695020e+00, v8;
	_ =	sdelay $0x1  }
0x16c: {  	(erf) = vpow2.f32 v8;
	_ =	sdelay $0x8  }
0x16d: {  	v8 =	vpop (erf)  }
0x16e: {  	[tilespmem:$0xA170] =	vst v8  }
0x16f: {  	[tilespmem:v4+s28+$0x0] =	vst.idx.msk $0xffff, v8  }
0x170: {  	v8 =	vld [tilespmem:$0xA130];
	_ =	sdelay $0x6  }
0x171: {  	v9 =	vld [tilespmem:$0xA0E0]  }
0x172: {  	v8 =	vld.idx.msk [tilespmem:v8+s19+$0x0], $0xffff;
	_ =	sdelay $0x4  }
0x173: {  	v8 =	vadd.f32 v8, v9;
	_ =	sdelay $0x1  }
0x174: {  	v8 =	vadd.f32 v8, v6;
	_ =	sdelay $0x1  }
0x175: {  	v9 =	vmul.f32 $9.999999770e-03, v8  }
0x176: {  	vm15 =	vgt.f32 v8, $0.0e+00  }
0x177: {  	v8 =	vsel vm15, v8, v9  }
0x178: {  	v8 =	vsub.f32 v8, v7;
	_ =	sdelay $0x1  }
0x179: {  	v8 =	vmul.f32 $1.442695020e+00, v8;
	_ =	sdelay $0x1  }
0x17a: {  	(erf) = vpow2.f32 v8;
	_ =	sdelay $0x8  }
0x17b: {  	v8 =	vpop (erf)  }
0x17c: {  	[tilespmem:$0xA180] =	vst v8  }
0x17d: {  	s9 =	simm.s32 $0x5120;
	[tilespmem:v5+s28+$0x0] =	vst.idx.msk $0xffff, v8  }
0x17e: {  	v8 =	vld [tilespmem:s9+$0xFFFFFFF0]  }
0x17f: {  	v20 =	vld [tilespmem:s9+$0x70]  }
0x180: {  	v9 =	vld [tilespmem:s9+$0x60]  }
0x181: {  	s10 =	simm.s32 $0x0;
	v10 =	vld [tilespmem:s9+$0x20]  }
0x182: {  	v11 =	vmov s10;
	v12 =	vld [tilespmem:s9+$0x10]  }
0x183: {  	v15 =	vld [tilespmem:s9+$0x30]  }
0x184: {  	v23 =	vld [tilespmem:s9+$0x50]  }
0x185: {  	v16 =	vld [tilespmem:s9+$0xFFFFFF80]  }
0x186: {  	v14 =	vld [tilespmem:s9+$0x0]  }
0x187: {  	v11 =	vld.idx.msk [tilespmem:v11+s29+$0x0], $0xffff  }
0x188: {  	v21 =	vld [tilespmem:s9+$0xFFFFFFA0]  }
0x189: {  	v13 =	vld [tilespmem:s9+$0xFFFFFFD0]  }
0x18a: {  	v19 =	vld [tilespmem:s9+$0xFFFFFF90]  }
0x18b: {  	v17 =	vld [tilespmem:s9+$0xFFFFFFB0]  }
0x18c: {  	v18 =	vld [tilespmem:s9+$0x40]  }
0x18d: {  	v22 =	vmul.f32 v16, v11;
	v16 =	vld [tilespmem:s9+$0xFFFFFFC0];
	v24 =	vmul.f32 v20, v11  }
0x18e: {  	s11 =	simm.s32 $0x5120;
	s10 =	simm.s32 $0x1;
	v20 =	vmul.f32 v21, v11;
	v21 =	vld [tilespmem:s9+$0xFFFFFFE0];
	v23 =	vmul.f32 v23, v11  }
.LBB2_6:
0x18f: {  	p1 =	sne.s32 s10, $0x4F  }
0x190: {  	v19 =	vmul.f32 v19, v11;
	v15 =	vmul.f32 v15, v11;
	[tilespmem:s9+$0x70] =	vst v24;
	s11 =	sadd.s32 $0x100, s11;
	s12 =	smov.u32 s10;
	s10 =	sadd.s32 $0x1, s10  }
0x191: {  	v12 =	vmul.f32 v12, v11;
	[tilespmem:s9+$0xFFFFFF80] =	vst v22;
	v17 =	vmul.f32 v17, v11  }
0x192: {  	v14 =	vmul.f32 v14, v11;
	v18 =	vmul.f32 v18, v11;
	[tilespmem:s9+$0x50] =	vst v23  }
0x193: {  	v13 =	vmul.f32 v13, v11;
	v16 =	vmul.f32 v16, v11;
	[tilespmem:s9+$0x30] =	vst v15  }
0x194: {  	v15 =	vmul.f32 v21, v11;
	v21 =	vmul.f32 v8, v11;
	[tilespmem:s9+$0x10] =	vst v12  }
0x195: {  	v10 =	vmul.f32 v10, v11;
	v9 =	vmul.f32 v9, v11;
	[tilespmem:s9+$0xFFFFFFA0] =	vst v20  }
0x196: {  	[tilespmem:s9+$0x0] =	vst v14  }
0x197: {  	v8 =	vld [tilespmem:s11+$0xFFFFFFF0];
	[tilespmem:s9+$0xFFFFFFE0] =	vst v15  }
0x198: {  	v20 =	vld [tilespmem:s11+$0x70];
	[tilespmem:s9+$0x60] =	vst v9  }
0x199: {  	v9 =	vld [tilespmem:s11+$0x60];
	[tilespmem:s9+$0x20] =	vst v10  }
0x19a: {  	v10 =	vld [tilespmem:s11+$0x20];
	[tilespmem:s9+$0xFFFFFFD0] =	vst v13  }
0x19b: {  	v11 =	vmov s12;
	v12 =	vld [tilespmem:s11+$0x10];
	[tilespmem:s9+$0xFFFFFF90] =	vst v19  }
0x19c: {  	v15 =	vld [tilespmem:s11+$0x30];
	[tilespmem:s9+$0xFFFFFFF0] =	vst v21  }
0x19d: {  	v23 =	vld [tilespmem:s11+$0x50];
	[tilespmem:s9+$0x40] =	vst v18  }
0x19e: {  	v21 =	vld [tilespmem:s11+$0xFFFFFF80];
	[tilespmem:s9+$0xFFFFFFB0] =	vst v17  }
0x19f: {  	v14 =	vld [tilespmem:s11+$0x0];
	[tilespmem:s9+$0xFFFFFFC0] =	vst v16;
	s9 =	smov.u32 s11  }
0x1a0: {  	v11 =	vld.idx.msk [tilespmem:v11+s29+$0x0], $0xffff  }
0x1a1: {  	v25 =	vld [tilespmem:s11+$0xFFFFFFA0]  }
0x1a2: {  	v13 =	vld [tilespmem:s11+$0xFFFFFFD0]  }
.Ltmp6:
0x1a3: {  	v19 =	vld [tilespmem:s11+$0xFFFFFF90];
	(pc) =	sbr.rel @p1 .LBB2_6-.Ltmp6, $4  }
0x1a4: {  	v17 =	vld [tilespmem:s11+$0xFFFFFFB0]  }
0x1a5: {  	v18 =	vld [tilespmem:s11+$0x40]  }
0x1a6: {  	v22 =	vmul.f32 v21, v11;
	v24 =	vmul.f32 v20, v11;
	v16 =	vld [tilespmem:s11+$0xFFFFFFC0]  }
0x1a7: {  	v23 =	vmul.f32 v23, v11;
	v20 =	vmul.f32 v25, v11;
	v21 =	vld [tilespmem:s11+$0xFFFFFFE0]  }
0x1a8: {  	[tilespmem:s9+$0x70] =	vst v24  }
0x1a9: {  	[tilespmem:s9+$0xFFFFFF80] =	vst v22  }
0x1aa: {  	v15 =	vmul.f32 v15, v11;
	[tilespmem:s9+$0x50] =	vst v23  }
0x1ab: {  	v12 =	vmul.f32 v12, v11;
	[tilespmem:s9+$0xFFFFFFA0] =	vst v20  }
0x1ac: {  	v14 =	vmul.f32 v14, v11;
	[tilespmem:s9+$0x30] =	vst v15  }
0x1ad: {  	v9 =	vmul.f32 v9, v11;
	[tilespmem:s9+$0x10] =	vst v12  }
0x1ae: {  	v10 =	vmul.f32 v10, v11;
	[tilespmem:s9+$0x0] =	vst v14  }
0x1af: {  	v60 =	vmul.f32 v13, v11;
	[tilespmem:s9+$0x60] =	vst v9  }
0x1b0: {  	v61 =	vmul.f32 v19, v11;
	[tilespmem:s9+$0x20] =	vst v10  }
0x1b1: {  	v8 =	vmul.f32 v8, v11;
	[tilespmem:s9+$0xFFFFFFD0] =	vst v60  }
0x1b2: {  	v63 =	vmul.f32 v17, v11;
	[tilespmem:s9+$0xFFFFFF90] =	vst v61  }
0x1b3: {  	v62 =	vmul.f32 v18, v11;
	[tilespmem:s9+$0xFFFFFFF0] =	vst v8  }
0x1b4: {  	v8 =	vmul.f32 v16, v11;
	[tilespmem:s9+$0xFFFFFFB0] =	vst v63  }
0x1b5: {  	v59 =	vmul.f32 v21, v11;
	[tilespmem:s9+$0x40] =	vst v62  }
0x1b6: {  	[tilespmem:s9+$0xFFFFFFC0] =	vst v8  }
0x1b7: {  	[tilespmem:s9+$0xFFFFFFE0] =	vst v59  }
0x1b8: {  	[spmem:s3] =	stream.indirect.scatter.add.f32 [tilespmem:s21], [sflag:$0x4], $0x100, s2, s30, $0xb8;
	[tilespmem:$0xEEA0] =	vst v63  }
0x1b9: {  	_ =	swait.ge [sflag:s31], $0x5000  }
0x1ba: {  	[sflag:s31] =	ssyncset.done $0x0  }
.Ltmp7:
0x1bb: {  	[sflag:s31] =	ssyncadd.s32 $0xFFFFB000;
	(pc) =	sbr.rel .LBB2_8-.Ltmp7, $4  }
0x1bc: {  	[spmem:s4] =	stream.indirect.scatter.add.f32 [tilespmem:s28], [sflag:$0x3], $0x10, s2, s30, $0xb8;
	[tilespmem:$0xEEA0] =	vst v63  }
0x1bd: {  	_ =	swait.ge [sflag:s20], $0x500  }
0x1be: {  	[sflag:s20] =	ssyncset.done $0x0  }
0x1bf: {  	[sflag:s20] =	ssyncadd.s32 $0xFFFFFB00  }
.LBB2_10:
0x1c0: {  	_ =	sfence.sel $0x180000  }
0x1c1: {  	[bflag:$0x0] =	sbarrier.arrive $0xFFFF  }
0x1c2: {  	_ =	strace $0x9000004A  }
0x1c3: {  	[bflag:$0x2] =	sbarrier.arrive $0xFFFF  }
0x1c4: {  	s0 =	rddreg [dreg:$0x5]  }
0x1c5: {  	s0 =	sadd.s32 @!p0 $0x100000, s0  }
0x1c6: {  	[sflag:s0] =	ssyncadd.tile.s32 @!p0 $0x1;
	_ =	shalt  }
.Lfunc_end2:
_tile_overlayer_lowered:
.L_overlay_start_2:
0x1c7: {  	(tag) =	ssettag $0x2  }
0x1c8: {  	s0 =	rddreg [dreg:$0x0];
	s2 =	stileid.u32  }
0x1c9: {  	s1 =	rddreg [dreg:$0x1];
	p0 =	sne.s32 s2, $0x0  }
0x1ca: {  	s3 =	rddreg [dreg:$0x2];
	[bflag:$0x3] =	sbarrier.arrive $0xFFFF;
	s2 =	simm.s32 @!p0 $0x1C03  }
0x1cb: {  	[timem:s3], [sflag:s2] =	dma.local @!p0 [hbm:s0], s1  }
0x1cc: {  	s0 =	simm.s32 @!p0 $0x3  }
0x1cd: {  	_ =	swait.ge @!p0 [sflag:s0], s1  }
0x1ce: {  	s1 =	ssub.s32 @!p0 $0x0, s1;
	[sflag:s0] =	ssyncset.done @!p0 $0x0  }
0x1cf: {  	[sflag:s0] =	ssyncadd.s32 @!p0 s1  }
0x1d0: {  	[bflag:$0x3] =	sbarrier.arrive $0xFFFF  }
0x1d1: {  	_ =	shalt  }

// kernel: sparse-core-data-format-call.cloned.1.call-start
scs
called_computation_lowered:
.L_overlay_start_0:
0x0: {  	s2 =	sld [smem:$0x3FD9]  }
0x1: {  	s3 =	sld [smem:$0x3FFE];
	_ =	sdelay $0x1  }
0x2: {  	s1 =	srdreg.scid  }
0x3: {  	s0 =	sand.u32 $0x1, s1  }
0x4: {  	s18 =	sshll.u32 s0, $0xA;
	s2 =	sadd.s32 s3, s2  }
0x5: {  	s2 =	sadd.s32 s2, s18  }
0x6: {  	[smem:$0x3FBD] =	sst s2  }
0x7: {  	_ = 	snop  }
0x8: {  	s2 =	sld [smem:$0x3FC9];
	(tm) =	ssettm $0x1  }
0x9: {  	s19 =	sld [smem:$0x3FFB];
	_ =	sdelay $0x3  }
0xa: {  	_ =	strace s19  }
0xb: {  	s3 =	sld [smem:$0x3FFC];
	_ =	sdelay $0x3  }
0xc: {  	_ =	strace s3  }
0xd: {  	s3 =	sld [smem:$0x3FFD];
	_ =	sdelay $0x3  }
0xe: {  	_ =	strace s3  }
0xf: {  	_ =	strace $0x8FFFFFFF  }
0x10: {  	s20 =	sld [smem:$0x3FDB];
	_ =	sdelay $0x1  }
0x11: {  	s4 =	simm.s32 $_scs_section_size  }
0x12: {  	s5 =	simm.s32 $_size__tile_overlayer_lowered;
	s6 =	simm.s32 $_tile_overlayer_lowered  }
0x13: {  	s23 =	simm.s32 $0x1BFF;
	s22 =	sshll.u32 s6, $0x1;
	s3 =	sadd.s32 s4, s20  }
0x14: {  	s7 =	simm.s32 $0x0;
	s21 =	sshll.u32 s5, $0x1;
	s5 =	sadd.s32 s22, s3  }
0x15: {  	[timem:s7], [sflag:s23] =	dma.local [hbm:s5], s21  }
0x16: {  	_ =	swait.ge [sflag:s23], s21  }
0x17: {  	s4 =	ssub.s32 $0x0, s21;
	[sflag:s23] =	ssyncset.done $0x0  }
0x18: {  	[sflag:s23] =	ssyncadd.s32 s4;
	_ =	sdelay $0x1  }
0x19: {  	s24 =	simm.s32 $0x1B8B  }
0x1a: {  	_ =	swait.ge [sflag:s24], $0x1  }
0x1b: {  	[sflag:s24] =	ssyncset.done $0x0  }
0x1c: {  	s26 =	simm.s32 $0x1B8E;
	s25 =	sld [smem:$0x3FFE];
	[sflag:s24] =	ssyncadd.s32 $0xFFFFFFFF  }
0x1d: {  	s27 =	simm.s32 $execute0_lowered;
	[smem:$0x3FD2] =	sst s26  }
0x1e: {  	s5 =	sshll.u32 s27, $0x1;
	_ =	strace $0x80000046;
	[dreg:$0x1] =	wrdreg $0xFFFFFFFF  }
0x1f: {  	s28 =	simm.s32 $_size_execute0_lowered;
	s3 =	sadd.s32 s3, s5;
	[dreg:$0x0] =	wrdreg $0x0  }
0x20: {  	s5 =	sshll.u32 s28, $0x1;
	[dreg:$0x2] =	wrdreg s3  }
0x21: {  	[dreg:$0x3] =	wrdreg s5  }
0x22: {  	[dreg:$0x4] =	wrdreg $0xC0  }
0x23: {  	_ =	task [dreg:s7], $0x5FFFF  }
0x24: {  	[dreg:$0x1] =	wrdreg $0xFFFFFFFF  }
0x25: {  	[dreg:$0x0] =	wrdreg $0x60  }
0x26: {  	[dreg:$0x2] =	wrdreg s2  }
0x27: {  	[dreg:$0x3] =	wrdreg s25  }
0x28: {  	[dreg:$0x4] =	wrdreg $0x9  }
0x29: {  	_ =	task.clear_ibuf [dreg:s7], $0x5FFFF;
	_ =	strace $0x90000046  }
0x2a: {  	s29 =	simm.s32 $0x9;
	_ =	strace $0x80000048  }
0x2b: {  	_ =	swait.ge [sflag:s29], $0x1  }
0x2c: {  	[sflag:s29] =	ssyncadd.s32 $0xFFFFFFFF  }
0x2d: {  	_ =	strace $0x90000048  }
0x2e: {  	_ =	sfence  }
0x2f: {  	s30 =	sld [smem:$0x0];
	_ =	sdelay $0x2  }
0x30: {  	s31 =	sshll.u32 s1, $0xD;
	s1 =	sshrl.u32 s1, $0x2  }
0x31: {  	s3 =	sand.u32 $0x4000, s31;
	s1 =	sadd.s32 s1, s30  }
0x32: {  	s0 =	sor.u32 s3, s0;
	s1 =	sshll.u32 s1, $0x11  }
0x33: {  	s0 =	sor.u32 s1, s0  }
0x34: {  	s0 =	sadd.s32 $0x8F2B, s0  }
0x35: {  	[sflag:s0] =	ssyncadd.remote.s32 $0x1  }
0x36: {  	_ =	sfence.sel $0xFFFF  }
0x37: {  	[dreg:$0x0] =	wrdreg $0xFFFFFFFF;
	(pc) =	sbr.abs _section_cstart, $3  }
0x38: {  	[dreg:$0x1] =	wrdreg $0xFFFFFFFF  }
0x39: {  	_ =	task.clear_ibuf [dreg:s7], $0x2FFFF;
	_ =	strace $0x9FFFFFFF  }
0x3a: {  	(tm) =	ssettm $0x7FFFFFFF  }
0x3b: {  	_ =	shalt  }
tec
execute0_lowered:
.L_overlay_start_1:
0x0: {  	(tag) =	ssettag $0x1  }
0x1: {  	s0 =	srdreg.scid;
	s2 =	rddreg [dreg:$0x0]  }
0x2: {  	s5 =	rddreg [dreg:$0x1];
	s1 =	stileid.u32  }
0x3: {  	s4 =	simm.s32 $0x1;
	s6 =	simm.s32 $0x2;
	s0 =	sshll.u32 s0, $0x4  }
0x4: {  	s8 =	simm.s32 $0x0;
	s9 =	simm.s32 $0x0;
	s3 =	sand.u32 $0x10, s0  }
.Ltmp0:
0x5: {  	s13 =	simm.s32 $0x0;
	s3 =	sor.u32 s1, s3;
	(pc) =	sbr.rel .LBB1_1-.Ltmp0, $4  }
0x6: {  	s0 =	rddreg [dreg:$0x2];
	_ =	strace $0x80000047;
	s3 =	sshll.u32 s3, $0x3  }
0x7: {  	s10 =	simm.s32 $0x0;
	[sflag:s4] =	ssyncpa.u1 $0x0;
	s7 =	ssub.s32 $0x1868, s3  }
0x8: {  	s12 =	simm.s32 $0x0;
	[sflag:s6] =	ssyncpa.u1 $0x0;
	s6 =	sshrl.u32 s7, $0x8  }
0x9: {  	s5 =	sadd.s32 $0x1800, s5;
	s11 =	smov.u32 s3;
	s7 =	sadd.s32 $0x2, s6  }
.LBB1_9:
0xa: {  	s15 =	sshll.u32 s12, $0xE  }
0xb: {  	s16 =	sshll.u32 s10, $0x8;
	s15 =	sand.u32 $0x4000, s15  }
0xc: {  	s16 =	sadd.s32 s5, s16;
	s15 =	sor.u32 $0x8000, s15  }
0xd: {  	[hbm4b:s16+s8] =	stream.linear.scatter [tilespmem:s15], [sflag:$0x2], s14, $0x38;
	[tilespmem:$0x10000] =	vst v63  }
.LBB1_10:
0xe: {  	p0 =	slt.u32 s12, $0x2  }
0xf: {  	p1 =	sgt.s32 @!p0 s13, $0x1862  }
0x10: {  	s14 =	smov.u32 s13;
	s15 =	sshra.s32 @!p0 s13, $0x1F;
	p1 =	por !p1, p0  }
0x11: {  	s13 =	sand.u32 @!p0 s15, s13;
	s14 =	simm.s32 @p1 $0x1862  }
0x12: {  	s13 =	ssub.s32 @!p0 s14, s13  }
0x13: {  	s13 =	sadd.s32 @!p0 $0xFFFFE79E, s13  }
0x14: {  	s14 =	sshll.u32 @!p0 s13, $0xD  }
0x15: {  	p1 =	sgt.s32 @!p0 s13, $0x7;
	s13 =	ssub.s32 @!p0 $0x10000, s14  }
0x16: {  	s15 =	sadd.s32 $0x100, s11;
	p1 =	por !p1, p0;
	s13 =	sshrl.u32 @!p0 s13, $0x2  }
0x17: {  	s13 =	simm.s32 @!p1 $0x0;
	p1 =	sgt.s32 s15, $0x1869  }
0x18: {  	s15 =	smov.u32 @p1 s3;
	p1 =	sne.s32 s12, s7  }
.Ltmp1:
0x19: {  	_ = 	snop;
	(pc) =	sbr.rel @!p1 .LBB1_11-.Ltmp1, $4  }
0x1a: {  	s14 =	simm.s32 @!p0 $0x2  }
0x1b: {  	s9 =	sadd.s32 $0x4000, s9;
	_ =	swait.ge @!p0 [sflag:s14], s13;
	s16 =	ssub.s32 @!p0 $0x0, s13  }
0x1c: {  	s13 =	smov.u32 s10;
	s12 =	sadd.s32 $0x1, s12;
	[sflag:s14] =	ssyncset.done @!p0 $0x0  }
0x1d: {  	s10 =	smov.u32 s11;
	s11 =	smov.u32 s15;
	[sflag:s14] =	ssyncadd.s32 @!p0 s16  }
.LBB1_1:
0x1e: {  	p0 =	sgt.u32 s12, s6  }
0x1f: {  	p1 =	sgt.s32 @!p0 s11, $0x1862  }
0x20: {  	s14 =	smov.u32 s11;
	s15 =	sshra.s32 @!p0 s11, $0x1F;
	p1 =	por !p1, p0  }
0x21: {  	s15 =	sand.u32 @!p0 s15, s11;
	s14 =	simm.s32 @p1 $0x1862  }
0x22: {  	s14 =	ssub.s32 @!p0 s14, s15  }
0x23: {  	s14 =	sadd.s32 @!p0 $0xFFFFE79E, s14  }
0x24: {  	s17 =	simm.s32 @!p0 $0x0;
	s15 =	sxor.u32 @!p0 $0xFFFFFFFF, s12;
	s16 =	sshll.u32 @!p0 s14, $0xD  }
0x25: {  	s15 =	sshll.u32 @!p0 s15, $0xE;
	p1 =	sgt.s32 @!p0 s14, $0x7;
	s14 =	ssub.s32 @!p0 $0x10000, s16  }
0x26: {  	p1 =	por !p1, p0;
	s16 =	sshll.u32 @!p0 s11, $0x8;
	s14 =	sshrl.u32 @!p0 s14, $0x2  }
0x27: {  	s15 =	sand.u32 @!p0 $0x4000, s15;
	s16 =	sadd.s32 @!p0 s2, s16;
	s14 =	simm.s32 @!p1 $0x0  }
0x28: {  	[tilespmem:s15], [sflag:$0x1] =	stream.linear.gather @!p0 [hbm4b:s16+s17], s14, $0x38;
	[tilespmem:$0x10000] =	vst v63  }
0x29: {  	p0 =	seq.s32 s12, $0x0  }
0x2a: {  	p1 =	sge.u32 @!p0 s12, s7  }
0x2b: {  	p0 =	por p0, p1  }
.Ltmp2:
0x2c: {  	_ = 	snop;
	(pc) =	sbr.rel @p0 .LBB1_10-.Ltmp2, $1  }
0x2d: {  	_ =	sdelay $0x3  }
0x2e: {  	p0 =	sgt.s32 s10, $0x1862;
	s14 =	smov.u32 s10;
	s15 =	sshra.s32 s10, $0x1F  }
0x2f: {  	s14 =	simm.s32 @!p0 $0x1862;
	s15 =	sand.u32 s15, s10  }
0x30: {  	s14 =	ssub.s32 s14, s15  }
0x31: {  	s16 =	sadd.s32 $0x8, s10;
	s14 =	sadd.s32 $0xFFFFE79E, s14  }
0x32: {  	p1 =	slt.s32 s16, $0x186A;
	s30 =	sshll.u32 s14, $0xD  }
0x33: {  	s16 =	simm.s32 @!p1 $0x186A;
	s15 =	ssub.s32 $0x10000, s30  }
0x34: {  	p0 =	sgt.s32 s14, $0x7;
	s14 =	sshrl.u32 s15, $0x2;
	s15 =	ssub.s32 s16, s10  }
0x35: {  	s14 =	simm.s32 @p0 $0x0;
	p0 =	slt.s32 s15, $0x1  }
.Ltmp3:
0x36: {  	_ = 	snop;
	(pc) =	sbr.rel @p0 .LBB1_9-.Ltmp3, $4  }
0x37: {  	_ = 	snop  }
0x38: {  	_ =	swait.ge [sflag:s4], s14  }
0x39: {  	s31 =	ssub.s32 $0x0, s14;
	[sflag:s4] =	ssyncset.done $0x0  }
0x3a: {  	[sflag:s4] =	ssyncadd.s32 s31  }
0x3b: {  	s16 =	sshll.u32 s9, $0x2  }
0x3c: {  	s16 =	sand.u32 $0x10000, s16  }
0x3d: {  	s16 =	sshrl.u32 s16, $0x2  }
0x3e: {  	s18 =	simm.s32 $0x0;
	s19 =	simm.s32 $0x0;
	s17 =	sor.u32 $0x8000, s16  }
.LBB1_4:
0x3f: {  	s20 =	sshra.s32 s18, $0x2  }
0x40: {  	v0 =	vmov s20;
	_ =	sdelay $0x3  }
0x41: {  	p1 =	por $0x1, $0x1;
	s20 =	simm.s32 $0x0  }
.LBB1_5:
0x42: {  	_ = 	snop  }
0x43: {  	s21 =	sshll.u32 s20, $0xA  }
0x44: {  	s21 =	sand.u32 $0x3FFFFC00, s21  }
0x45: {  	s21 =	sadd.s32 s21, s16  }
0x46: {  	v5 =	vld.idx.msk [tilespmem:v0+s21+$0x70 ss:$0x1], $0xffff  }
0x47: {  	v6 =	vld.idx.msk [tilespmem:v0+s21+$0x10 ss:$0x1], $0xffff  }
0x48: {  	v7 =	vld.idx.msk [tilespmem:v0+s21+$0x20 ss:$0x1], $0xffff  }
0x49: {  	s31 =	sshll.u32 s20, $0x7;
	v1 =	vld.idx.msk [tilespmem:v0+s21+$0x30 ss:$0x1], $0xffff  }
0x4a: {  	s20 =	sand.u32 $0x3FFFFF80, s31;
	v2 =	vld.idx.msk [tilespmem:v0+s21+$0x40 ss:$0x1], $0xffff  }
0x4b: {  	s20 =	sadd.s32 s20, s17;
	v3 =	vld.idx.msk [tilespmem:v0+s21+$0x50 ss:$0x1], $0xffff  }
0x4c: {  	v4 =	vld.idx.msk [tilespmem:v0+s21+$0x60 ss:$0x1], $0xffff;
	[tilespmem:v0+s20+$0x70 ss:$0x1] =	vst.idx.msk $0xffff, v5  }
0x4d: {  	v5 =	vld.idx.msk [tilespmem:v0+s21+$0x0 ss:$0x1], $0xffff;
	[tilespmem:v0+s20+$0x10 ss:$0x1] =	vst.idx.msk $0xffff, v6;
	s21 =	sadd.s32 $0x80, s21  }
0x4e: {  	p0 =	por p1, p1;
	s22 =	simm.s32 $0x6;
	[tilespmem:v0+s20+$0x20 ss:$0x1] =	vst.idx.msk $0xffff, v7;
	v6 =	vld.idx.msk [tilespmem:v0+s21+$0x70 ss:$0x1], $0xffff  }
.LBB1_6:
0x4f: {  	p1 =	sne.s32 s22, $0x1;
	v7 =	vld.idx.msk [tilespmem:v0+s21+$0x10 ss:$0x1], $0xffff;
	[tilespmem:v0+s20+$0x30 ss:$0x1] =	vst.idx.msk $0xffff, v1  }
0x50: {  	v8 =	vld.idx.msk [tilespmem:v0+s21+$0x20 ss:$0x1], $0xffff;
	[tilespmem:v0+s20+$0x40 ss:$0x1] =	vst.idx.msk $0xffff, v2  }
0x51: {  	v1 =	vld.idx.msk [tilespmem:v0+s21+$0x30 ss:$0x1], $0xffff;
	[tilespmem:v0+s20+$0x50 ss:$0x1] =	vst.idx.msk $0xffff, v3  }
.Ltmp4:
0x52: {  	v2 =	vld.idx.msk [tilespmem:v0+s21+$0x40 ss:$0x1], $0xffff;
	[tilespmem:v0+s20+$0x60 ss:$0x1] =	vst.idx.msk $0xffff, v4;
	(pc) =	sbr.rel @p1 .LBB1_6-.Ltmp4, $4  }
0x53: {  	v3 =	vld.idx.msk [tilespmem:v0+s21+$0x50 ss:$0x1], $0xffff;
	[tilespmem:v0+s20+$0x0 ss:$0x1] =	vst.idx.msk $0xffff, v5;
	s20 =	sadd.s32 $0x100, s20  }
0x54: {  	v4 =	vld.idx.msk [tilespmem:v0+s21+$0x60 ss:$0x1], $0xffff;
	[tilespmem:v0+s20+$0x70 ss:$0x1] =	vst.idx.msk $0xffff, v6  }
0x55: {  	v5 =	vld.idx.msk [tilespmem:v0+s21+$0x0 ss:$0x1], $0xffff;
	[tilespmem:v0+s20+$0x10 ss:$0x1] =	vst.idx.msk $0xffff, v7;
	s21 =	sadd.s32 $0x80, s21  }
0x56: {  	s22 =	sadd.s32 $0xFFFFFFFF, s22;
	v6 =	vld.idx.msk [tilespmem:v0+s21+$0x70 ss:$0x1], $0xffff;
	[tilespmem:v0+s20+$0x20 ss:$0x1] =	vst.idx.msk $0xffff, v8  }
0x57: {  	_ =	sdelay $0x3  }
0x58: {  	[tilespmem:v0+s20+$0x30 ss:$0x1] =	vst.idx.msk $0xffff, v1  }
0x59: {  	v1 =	vld.idx.msk [tilespmem:v0+s21+$0x10 ss:$0x1], $0xffff;
	[tilespmem:v0+s20+$0x40 ss:$0x1] =	vst.idx.msk $0xffff, v2  }
0x5a: {  	v2 =	vld.idx.msk [tilespmem:v0+s21+$0x20 ss:$0x1], $0xffff;
	[tilespmem:v0+s20+$0x50 ss:$0x1] =	vst.idx.msk $0xffff, v3  }
0x5b: {  	v61 =	vld.idx.msk [tilespmem:v0+s21+$0x40 ss:$0x1], $0xffff;
	[tilespmem:v0+s20+$0x60 ss:$0x1] =	vst.idx.msk $0xffff, v4  }
0x5c: {  	s31 =	sadd.s32 $0x100, s20;
	v62 =	vld.idx.msk [tilespmem:v0+s21+$0x50 ss:$0x1], $0xffff;
	[tilespmem:v0+s20+$0x0 ss:$0x1] =	vst.idx.msk $0xffff, v5  }
0x5d: {  	v63 =	vld.idx.msk [tilespmem:v0+s21+$0x60 ss:$0x1], $0xffff;
	[tilespmem:v0+s31+$0x70 ss:$0x1] =	vst.idx.msk $0xffff, v6  }
0x5e: {  	v3 =	vld.idx.msk [tilespmem:v0+s21+$0x30 ss:$0x1], $0xffff;
	[tilespmem:v0+s31+$0x10 ss:$0x1] =	vst.idx.msk $0xffff, v1  }
0x5f: {  	v1 =	vld.idx.msk [tilespmem:v0+s21+$0x0 ss:$0x1], $0xffff;
	[tilespmem:v0+s31+$0x20 ss:$0x1] =	vst.idx.msk $0xffff, v2  }
.Ltmp5:
0x60: {  	[tilespmem:v0+s31+$0x40 ss:$0x1] =	vst.idx.msk $0xffff, v61;
	(pc) =	sbr.rel @p0 .LBB1_5-.Ltmp5, $4  }
0x61: {  	[tilespmem:v0+s31+$0x50 ss:$0x1] =	vst.idx.msk $0xffff, v62  }
0x62: {  	[tilespmem:v0+s31+$0x60 ss:$0x1] =	vst.idx.msk $0xffff, v63  }
0x63: {  	[tilespmem:v0+s31+$0x30 ss:$0x1] =	vst.idx.msk $0xffff, v3  }
0x64: {  	p1 =	por $0x0, $0x0;
	s20 =	simm.s32 $0x1;
	[tilespmem:v0+s31+$0x0 ss:$0x1] =	vst.idx.msk $0xffff, v1  }
0x65: {  	s19 =	sadd.s32 $0x1, s19  }
0x66: {  	p0 =	sne.s32 s19, s15  }
.Ltmp6:
0x67: {  	_ = 	snop;
	(pc) =	sbr.rel @p0 .LBB1_4-.Ltmp6, $4  }
.Ltmp7:
0x68: {  	_ = 	snop;
	(pc) =	sbr.rel @!p0 .LBB1_9-.Ltmp7, $4  }
0x69: {  	_ = 	snop  }
0x6a: {  	_ = 	snop  }
0x6b: {  	s18 =	sadd.s32 $0x2000, s18  }
0x6c: {  	_ = 	snop  }
.LBB1_11:
0x6d: {  	_ =	sfence.sel $0x180000  }
0x6e: {  	s2 =	simm.s32 $0x1;
	[bflag:$0x0] =	sbarrier.arrive $0xFFFF  }
0x6f: {  	s31 =	simm.s32 $0x2;
	[sflag:s2] =	ssyncpa.u1 $0x1  }
0x70: {  	[sflag:s31] =	ssyncpa.u1 $0x1  }
0x71: {  	p0 =	sne.s32 s1, $0x0;
	_ =	strace $0x90000047  }
0x72: {  	s0 =	sadd.s32 @!p0 $0x100000, s0;
	[bflag:$0x2] =	sbarrier.arrive $0xFFFF  }
0x73: {  	[sflag:s0] =	ssyncadd.tile.s32 @!p0 $0x1;
	_ =	shalt  }
.Lfunc_end1:
_tile_overlayer_lowered:
.L_overlay_start_2:
0x74: {  	(tag) =	ssettag $0x2  }
0x75: {  	s0 =	rddreg [dreg:$0x0];
	s2 =	stileid.u32  }
0x76: {  	s1 =	rddreg [dreg:$0x1];
	p0 =	sne.s32 s2, $0x0  }
0x77: {  	s3 =	rddreg [dreg:$0x2];
	[bflag:$0x3] =	sbarrier.arrive $0xFFFF;
	s2 =	simm.s32 @!p0 $0x1C01  }
0x78: {  	[timem:s3], [sflag:s2] =	dma.local @!p0 [hbm:s0], s1  }
0x79: {  	s0 =	simm.s32 @!p0 $0x1  }
0x7a: {  	_ =	swait.ge @!p0 [sflag:s0], s1  }
0x7b: {  	s1 =	ssub.s32 @!p0 $0x0, s1;
	[sflag:s0] =	ssyncset.done @!p0 $0x0  }
0x7c: {  	[sflag:s0] =	ssyncadd.s32 @!p0 s1  }
0x7d: {  	[bflag:$0x3] =	sbarrier.arrive $0xFFFF  }
0x7e: {  	_ =	shalt  }

</sc_bundles>
